<compile_context>
chip_gen: v7x
topology: tpu7x:2x2x1
jax: 0.10.2.dev20260603
libtpu: 0.0.44.dev20260713+nightly
codegen_flags: <defaults>
</compile_context>

<pallas_src>
import functools

import jax
import jax.numpy as jnp
import numpy as np
from jax import lax
from jax.experimental import pallas as pl
from jax.experimental.pallas import tpu as pltpu
from jax.experimental.pallas import tpu_sc as plsc

NUMANGLE = 100
NUMRHO = 100
RPAD = 112


def _rho_table(H, W):
    irho = np.float32(float(int(np.sqrt(H * H + W * W) + 1)) / float(NUMRHO - 1))
    itheta = np.float32(np.pi / NUMANGLE)
    angles = np.arange(NUMANGLE, dtype=np.float32) * itheta
    tabCos = (np.cos(angles).astype(np.float32) / irho).astype(np.float32)
    tabSin = (np.sin(angles).astype(np.float32) / irho).astype(np.float32)
    xs = np.arange(W, dtype=np.float32) - np.float32(W // 2)
    ys = np.arange(H, dtype=np.float32) - np.float32(H // 2)
    u = (xs[None, None, :] * tabCos[:, None, None]
         + ys[None, :, None] * tabSin[:, None, None]).astype(np.float32)
    r = np.round(u).astype(np.int32) + NUMRHO // 2
    r = np.clip(r, 0, NUMRHO - 1)
    return r.reshape(NUMANGLE, 1, H * W)


AB = 4
KC = 1


def _dht_body(feat_ref, r_ref, out_ref):
    P = r_ref.shape[2]
    Pc = P // KC
    acc = None
    for c in range(KC):
        sl = pl.ds(c * Pc, Pc)
        iot = lax.broadcasted_iota(jnp.int32, (NUMRHO, Pc), 0)
        ohs = [(iot == r_ref[j, 0, sl][None, :]).astype(jnp.bfloat16)
               for j in range(AB)]
        ohT = jnp.concatenate(ohs, axis=0)
        d = lax.dot_general(feat_ref[:, sl], ohT,
                            (((1,), (1,)), ((), ())),
                            preferred_element_type=jnp.float32)
        acc = d if acc is None else acc + d
    out_ref[0] = acc


def _dht_sc(feat_flat, ridx):
    NC, P = feat_flat.shape
    A = ridx.shape[0]
    info = plsc.get_sparse_core_info()
    ncores, nsub = info.num_cores, info.num_subcores
    NW = ncores * nsub
    CPW = NC // NW
    NPB = P // 16

    mesh = plsc.VectorSubcoreMesh(core_axis_name="c", subcore_axis_name="s")

    @functools.partial(
        pl.kernel, mesh=mesh,
        compiler_params=pltpu.CompilerParams(needs_layout_passes=False),
        cost_estimate=pl.CostEstimate(
            flops=2 * NC * P * A, transcendentals=0,
            bytes_accessed=4 * (NC * P + A * P + A * NC * RPAD)),
        out_type=jax.ShapeDtypeStruct((A, NC, RPAD), jnp.float32),
        scratch_types=(
            [pltpu.VMEM((CPW, P), jnp.float32),
             pltpu.VMEM((1, P), jnp.int32)]
            + [pltpu.VMEM((RPAD,), jnp.float32) for _ in range(CPW)]
            + [pltpu.SemaphoreType.DMA]
        ),
    )
    def k(feat_hbm, ridx_hbm, out_hbm, feat_v, ridx_v, *accs_sem):
        accs, sem = accs_sem[:CPW], accs_sem[CPW]
        wid = lax.axis_index("s") * ncores + lax.axis_index("c")
        base = wid * CPW
        pltpu.sync_copy(feat_hbm.at[pl.ds(base, CPW)], feat_v)

        zeros = jnp.zeros((16,), jnp.float32)

        def angle_body(a, _):
            pltpu.sync_copy(ridx_hbm.at[a], ridx_v.at[0])
            for ch in range(CPW):
                for j in range(RPAD // 16):
                    accs[ch][pl.ds(j * 16, 16)] = zeros

            @plsc.parallel_loop(0, NPB, unroll=4)
            def pixel_body(pb):
                off = pl.multiple_of(pb * 16, 16)
                idx = ridx_v[0, pl.ds(off, 16)]
                for ch in range(CPW):
                    vals = feat_v[ch, pl.ds(off, 16)]
                    plsc.addupdate_scatter(accs[ch], [idx], vals)
            copies = [pltpu.async_copy(accs[ch], out_hbm.at[a, base + ch], sem)
                      for ch in range(CPW)]
            for cp in copies:
                cp.wait()
            return _

        lax.fori_loop(0, A, angle_body, None)

    return k(feat_flat, ridx)


def _dht_tc(feat_flat, r3, interpret=False):
    NC, P = feat_flat.shape
    A_tc = r3.shape[0]
    assert A_tc % AB == 0
    out = pl.pallas_call(
        _dht_body,
        grid=(A_tc // AB,),
        in_specs=[
            pl.BlockSpec((NC, P), lambda s: (0, 0)),
            pl.BlockSpec((AB, 1, P), lambda s: (s, 0, 0)),
        ],
        out_specs=pl.BlockSpec((1, NC, AB * NUMRHO), lambda s: (s, 0, 0)),
        out_shape=jax.ShapeDtypeStruct((A_tc // AB, NC, AB * NUMRHO), jnp.float32),
        interpret=interpret,
    )(feat_flat.astype(jnp.bfloat16), r3)
    out = out.reshape(A_tc // AB, NC, AB, NUMRHO)
    return jnp.transpose(out, (0, 2, 1, 3)).reshape(A_tc, NC, NUMRHO)


A_SC = 16


@functools.partial(jax.jit, static_argnames=("interpret",))
def kernel(feat, interpret=False):
    N, C, H, W = feat.shape
    P = H * W
    NC = N * C
    feat_flat = feat.reshape(NC, P)
    r = _rho_table(H, W)

    parts = []
    if A_SC > 0:
        feat_perm = feat_flat.reshape(NC, 16, P // 16)
        feat_perm = feat_perm.transpose(0, 2, 1).reshape(NC, P)
        r_sc = r[:A_SC].reshape(A_SC, 16, P // 16)
        r_sc = r_sc.transpose(0, 2, 1).reshape(A_SC, P)
        out_sc = _dht_sc(feat_perm, r_sc)[..., :NUMRHO]
        parts.append(out_sc)
    if A_SC < NUMANGLE:
        parts.append(_dht_tc(feat_flat, r[A_SC:], interpret=interpret))

    out = parts[0] if len(parts) == 1 else jnp.concatenate(parts, axis=0)
    return jnp.transpose(out, (1, 0, 2)).reshape(N, C, NUMANGLE, NUMRHO)

# --- scband reference (transcript-rebuilt; emitter-appended) ---
"""Pipeline reference for scband-c-dht-26010321944863 (READ-ONLY COPY).

The authoritative reference and input builder live on the scoring server;
editing this copy changes nothing except your own understanding.
"""

import jax, jax.numpy as jnp
import numpy as np

NUMANGLE = 100
NUMRHO = 100


def setup_inputs(seed: int = 0) -> dict:
    key = jax.random.key(seed)
    feat = jax.random.normal(key, (2, 128, 100, 100), dtype=jnp.float32)
    return {"feat": feat}


def _dht(feat, numangle, numrho):
    # Deep Hough Transform: accumulate feature values along lines.
    # Mirrors the CUDA kernel in deep-hough (line_accum_forward):
    #   irho = int(sqrt(H^2+W^2) + 1) / (numrho - 1); itheta = pi / numangle
    #   for pixel (h, w) centered at image center and each angle a:
    #     r = round(x*cos(a)/irho + y*sin(a)/irho) + numrho//2
    #     out[n, c, a, r] += feat[n, c, h, w]
    N, C, H, W = feat.shape
    irho = float(int(np.sqrt(H * H + W * W) + 1)) / float(numrho - 1)
    itheta = np.pi / numangle
    angles = jnp.arange(numangle, dtype=jnp.float32) * itheta
    tabCos = jnp.cos(angles) / irho
    tabSin = jnp.sin(angles) / irho
    xs = jnp.arange(W, dtype=jnp.float32) - (W // 2)
    ys = jnp.arange(H, dtype=jnp.float32) - (H // 2)
    # r[a, h, w]: rho bin index for every (angle, pixel) pair
    r = jnp.round(xs[None, None, :] * tabCos[:, None, None]
                  + ys[None, :, None] * tabSin[:, None, None]).astype(jnp.int32)
    r = r + numrho // 2
    r = jnp.clip(r, 0, numrho - 1)
    r_flat = r.reshape(numangle, H * W)          # [A, P]
    feat_flat = feat.reshape(N, C, H * W)        # [N, C, P]

    def one_angle(r_a):
        # scatter-add all P pixel values into numrho bins (duplicate indices accumulate)
        return jnp.zeros((N, C, numrho), feat.dtype).at[:, :, r_a].add(feat_flat)

    out = jax.vmap(one_angle)(r_flat)            # [A, N, C, rho]
    return jnp.transpose(out, (1, 2, 0, 3))      # [N, C, A, rho]


def reference(feat):
    return _dht(feat, NUMANGLE, NUMRHO)

if __name__ == "__main__":
    import jax
    _d = setup_inputs()
    print(jax.jit(kernel)(*tuple(_d.values())))

</pallas_src>

<mosaic_0001>
#map = affine_map<(d0, d1) -> (0, 0)>
#map1 = affine_map<(d0, d1) -> (0, 0, 0)>
module attributes {stable_mosaic.version = 14 : i64} {
  func.func @k(%arg0: i32, %arg1: i32, %arg2: memref<256x10000xf32, #tpu.memory_space<hbm>>, %arg3: memref<16x10000xi32, #tpu.memory_space<hbm>>, %arg4: memref<16x256x112xf32, #tpu.memory_space<hbm>>, %arg5: memref<8x10000xf32, #tpu.memory_space<vmem>>, %arg6: memref<1x10000xi32, #tpu.memory_space<vmem>>, %arg7: memref<112xf32, #tpu.memory_space<vmem>>, %arg8: memref<112xf32, #tpu.memory_space<vmem>>, %arg9: memref<112xf32, #tpu.memory_space<vmem>>, %arg10: memref<112xf32, #tpu.memory_space<vmem>>, %arg11: memref<112xf32, #tpu.memory_space<vmem>>, %arg12: memref<112xf32, #tpu.memory_space<vmem>>, %arg13: memref<112xf32, #tpu.memory_space<vmem>>, %arg14: memref<112xf32, #tpu.memory_space<vmem>>, %arg15: memref<!tpu.dma_semaphore, #tpu.memory_space<semaphore_mem>>) attributes {dimension_semantics = [#tpu.dimension_semantics<core_parallel>, #tpu.dimension_semantics<subcore_parallel>], iteration_bounds = array<i64: 2, 16>, scalar_prefetch = 0 : i64, scratch_operands = 11 : i64, tpu.core_type = #tpu.core_type<sc_vector_subcore>, window_params = [{transform_indices = #map}, {transform_indices = #map}, {transform_indices = #map1}]} {
    %mul3A = arith.constant 2 : i32
    %mul3A_0 = arith.muli %arg1, %mul3A : i32
    %add3A = arith.addi %mul3A_0, %arg0 : i32
    %mul3A_1 = arith.constant 8 : i32
    %mul3A_2 = arith.muli %add3A, %mul3A_1 : i32
    "tpu.region"() ({
      %run_scoped3A = tpu.sem_alloc : memref<!tpu.dma_semaphore, #tpu.memory_space<semaphore_mem>>
      %dma_start3A = arith.constant 0 : i32
      %dma_start3A_8 = tpu.memref_slice %arg2[%mul3A_2, %dma_start3A] : memref<256x10000xf32, #tpu.memory_space<hbm>> -> memref<8x10000xf32, #tpu.memory_space<hbm>>
      %dma_start3A_9 = arith.constant 0 : i32
      %dma_start3A_10 = tpu.memref_slice %arg2[%mul3A_2, %dma_start3A_9] : memref<256x10000xf32, #tpu.memory_space<hbm>> -> memref<8x10000xf32, #tpu.memory_space<hbm>>
      tpu.enqueue_dma source(%dma_start3A_10 : memref<8x10000xf32, #tpu.memory_space<hbm>>) target(%arg5 : memref<8x10000xf32, #tpu.memory_space<vmem>>) target_semaphore(%run_scoped3A : memref<!tpu.dma_semaphore, #tpu.memory_space<semaphore_mem>>)
      %dma_wait3A = arith.constant 0 : i32
      %dma_wait3A_11 = tpu.memref_slice %arg2[%mul3A_2, %dma_wait3A] : memref<256x10000xf32, #tpu.memory_space<hbm>> -> memref<8x10000xf32, #tpu.memory_space<hbm>>
      %dma_wait3A_12 = arith.constant 0 : i32
      %dma_wait3A_13 = tpu.memref_slice %arg2[%mul3A_2, %dma_wait3A_12] : memref<256x10000xf32, #tpu.memory_space<hbm>> -> memref<8x10000xf32, #tpu.memory_space<hbm>>
      tpu.wait_dma2 semaphore(%run_scoped3A : memref<!tpu.dma_semaphore, #tpu.memory_space<semaphore_mem>>) src(%dma_wait3A_13 : memref<8x10000xf32, #tpu.memory_space<hbm>>) dst(%arg5 : memref<8x10000xf32, #tpu.memory_space<vmem>>)
      tpu.yield
    }) : () -> ()
    %broadcast_in_dim3A = arith.constant 0.000000e+00 : f32
    %broadcast_in_dim3A_3 = vector.broadcast %broadcast_in_dim3A : f32 to vector<16xf32>
    %scan3A = arith.constant 0 : i32
    %scan3A_4 = arith.constant 16 : i32
    %scan3A_5 = arith.addi %scan3A, %scan3A_4 : i32
    %scan3A_6 = arith.constant 1 : i32
    scf.for %scan3A_8 = %scan3A to %scan3A_5 step %scan3A_6  : i32 {
      %run_scoped3A = arith.constant 0 : i32
      "tpu.region"() ({
        %run_scoped3A_232 = tpu.sem_alloc : memref<!tpu.dma_semaphore, #tpu.memory_space<semaphore_mem>>
        %dma_start3A_233 = arith.constant 0 : i32
        %dma_start3A_234 = tpu.memref_slice %arg6[%run_scoped3A, %dma_start3A_233] : memref<1x10000xi32, #tpu.memory_space<vmem>> -> memref<1x10000xi32, #tpu.memory_space<vmem>>
        %dma_start3A_235 = tpu.memref_squeeze %dma_start3A_234 : memref<1x10000xi32, #tpu.memory_space<vmem>> -> memref<10000xi32, #tpu.memory_space<vmem>>
        %dma_start3A_236 = arith.constant 0 : i32
        %dma_start3A_237 = tpu.memref_slice %arg3[%scan3A_8, %dma_start3A_236] : memref<16x10000xi32, #tpu.memory_space<hbm>> -> memref<1x10000xi32, #tpu.memory_space<hbm>>
        %dma_start3A_238 = tpu.memref_squeeze %dma_start3A_237 : memref<1x10000xi32, #tpu.memory_space<hbm>> -> memref<10000xi32, #tpu.memory_space<hbm>>
        %dma_start3A_239 = arith.constant 0 : i32
        %dma_start3A_240 = tpu.memref_slice %arg6[%run_scoped3A, %dma_start3A_239] : memref<1x10000xi32, #tpu.memory_space<vmem>> -> memref<1x10000xi32, #tpu.memory_space<vmem>>
        %dma_start3A_241 = tpu.memref_squeeze %dma_start3A_240 : memref<1x10000xi32, #tpu.memory_space<vmem>> -> memref<10000xi32, #tpu.memory_space<vmem>>
        %dma_start3A_242 = arith.constant 0 : i32
        %dma_start3A_243 = tpu.memref_slice %arg3[%scan3A_8, %dma_start3A_242] : memref<16x10000xi32, #tpu.memory_space<hbm>> -> memref<1x10000xi32, #tpu.memory_space<hbm>>
        %dma_start3A_244 = tpu.memref_squeeze %dma_start3A_243 : memref<1x10000xi32, #tpu.memory_space<hbm>> -> memref<10000xi32, #tpu.memory_space<hbm>>
        tpu.enqueue_dma source(%dma_start3A_244 : memref<10000xi32, #tpu.memory_space<hbm>>) target(%dma_start3A_241 : memref<10000xi32, #tpu.memory_space<vmem>>) target_semaphore(%run_scoped3A_232 : memref<!tpu.dma_semaphore, #tpu.memory_space<semaphore_mem>>)
        %dma_wait3A_245 = arith.constant 0 : i32
        %dma_wait3A_246 = tpu.memref_slice %arg6[%run_scoped3A, %dma_wait3A_245] : memref<1x10000xi32, #tpu.memory_space<vmem>> -> memref<1x10000xi32, #tpu.memory_space<vmem>>
        %dma_wait3A_247 = tpu.memref_squeeze %dma_wait3A_246 : memref<1x10000xi32, #tpu.memory_space<vmem>> -> memref<10000xi32, #tpu.memory_space<vmem>>
        %dma_wait3A_248 = arith.constant 0 : i32
        %dma_wait3A_249 = tpu.memref_slice %arg3[%scan3A_8, %dma_wait3A_248] : memref<16x10000xi32, #tpu.memory_space<hbm>> -> memref<1x10000xi32, #tpu.memory_space<hbm>>
        %dma_wait3A_250 = tpu.memref_squeeze %dma_wait3A_249 : memref<1x10000xi32, #tpu.memory_space<hbm>> -> memref<10000xi32, #tpu.memory_space<hbm>>
        %dma_wait3A_251 = arith.constant 0 : i32
        %dma_wait3A_252 = tpu.memref_slice %arg6[%run_scoped3A, %dma_wait3A_251] : memref<1x10000xi32, #tpu.memory_space<vmem>> -> memref<1x10000xi32, #tpu.memory_space<vmem>>
        %dma_wait3A_253 = tpu.memref_squeeze %dma_wait3A_252 : memref<1x10000xi32, #tpu.memory_space<vmem>> -> memref<10000xi32, #tpu.memory_space<vmem>>
        %dma_wait3A_254 = arith.constant 0 : i32
        %dma_wait3A_255 = tpu.memref_slice %arg3[%scan3A_8, %dma_wait3A_254] : memref<16x10000xi32, #tpu.memory_space<hbm>> -> memref<1x10000xi32, #tpu.memory_space<hbm>>
        %dma_wait3A_256 = tpu.memref_squeeze %dma_wait3A_255 : memref<1x10000xi32, #tpu.memory_space<hbm>> -> memref<10000xi32, #tpu.memory_space<hbm>>
        tpu.wait_dma2 semaphore(%run_scoped3A_232 : memref<!tpu.dma_semaphore, #tpu.memory_space<semaphore_mem>>) src(%dma_wait3A_256 : memref<10000xi32, #tpu.memory_space<hbm>>) dst(%dma_wait3A_253 : memref<10000xi32, #tpu.memory_space<vmem>>)
        tpu.yield
      }) : () -> ()
      %swap3A = arith.constant 0 : index
      %swap3A_9 = tpu.vector_load %arg7[%swap3A] {strides = array<i32>} : memref<112xf32, #tpu.memory_space<vmem>>, vector<16xf32>,
      tpu.vector_store %arg7[%swap3A], %broadcast_in_dim3A_3 {strides = array<i32>} : memref<112xf32, #tpu.memory_space<vmem>>, vector<16xf32>,
      %swap3A_10 = arith.constant 16 : index
      %swap3A_11 = tpu.vector_load %arg7[%swap3A_10] {strides = array<i32>} : memref<112xf32, #tpu.memory_space<vmem>>, vector<16xf32>,
      tpu.vector_store %arg7[%swap3A_10], %broadcast_in_dim3A_3 {strides = array<i32>} : memref<112xf32, #tpu.memory_space<vmem>>, vector<16xf32>,
      %swap3A_12 = arith.constant 32 : index
      %swap3A_13 = tpu.vector_load %arg7[%swap3A_12] {strides = array<i32>} : memref<112xf32, #tpu.memory_space<vmem>>, vector<16xf32>,
      tpu.vector_store %arg7[%swap3A_12], %broadcast_in_dim3A_3 {strides = array<i32>} : memref<112xf32, #tpu.memory_space<vmem>>, vector<16xf32>,
      %swap3A_14 = arith.constant 48 : index
      %swap3A_15 = tpu.vector_load %arg7[%swap3A_14] {strides = array<i32>} : memref<112xf32, #tpu.memory_space<vmem>>, vector<16xf32>,
      tpu.vector_store %arg7[%swap3A_14], %broadcast_in_dim3A_3 {strides = array<i32>} : memref<112xf32, #tpu.memory_space<vmem>>, vector<16xf32>,
      %swap3A_16 = arith.constant 64 : index
      %swap3A_17 = tpu.vector_load %arg7[%swap3A_16] {strides = array<i32>} : memref<112xf32, #tpu.memory_space<vmem>>, vector<16xf32>,
      tpu.vector_store %arg7[%swap3A_16], %broadcast_in_dim3A_3 {strides = array<i32>} : memref<112xf32, #tpu.memory_space<vmem>>, vector<16xf32>,
      %swap3A_18 = arith.constant 80 : index
      %swap3A_19 = tpu.vector_load %arg7[%swap3A_18] {strides = array<i32>} : memref<112xf32, #tpu.memory_space<vmem>>, vector<16xf32>,
      tpu.vector_store %arg7[%swap3A_18], %broadcast_in_dim3A_3 {strides = array<i32>} : memref<112xf32, #tpu.memory_space<vmem>>, vector<16xf32>,
      %swap3A_20 = arith.constant 96 : index
      %swap3A_21 = tpu.vector_load %arg7[%swap3A_20] {strides = array<i32>} : memref<112xf32, #tpu.memory_space<vmem>>, vector<16xf32>,
      tpu.vector_store %arg7[%swap3A_20], %broadcast_in_dim3A_3 {strides = array<i32>} : memref<112xf32, #tpu.memory_space<vmem>>, vector<16xf32>,
      %swap3A_22 = arith.constant 0 : index
      %swap3A_23 = tpu.vector_load %arg8[%swap3A_22] {strides = array<i32>} : memref<112xf32, #tpu.memory_space<vmem>>, vector<16xf32>,
      tpu.vector_store %arg8[%swap3A_22], %broadcast_in_dim3A_3 {strides = array<i32>} : memref<112xf32, #tpu.memory_space<vmem>>, vector<16xf32>,
      %swap3A_24 = arith.constant 16 : index
      %swap3A_25 = tpu.vector_load %arg8[%swap3A_24] {strides = array<i32>} : memref<112xf32, #tpu.memory_space<vmem>>, vector<16xf32>,
      tpu.vector_store %arg8[%swap3A_24], %broadcast_in_dim3A_3 {strides = array<i32>} : memref<112xf32, #tpu.memory_space<vmem>>, vector<16xf32>,
      %swap3A_26 = arith.constant 32 : index
      %swap3A_27 = tpu.vector_load %arg8[%swap3A_26] {strides = array<i32>} : memref<112xf32, #tpu.memory_space<vmem>>, vector<16xf32>,
      tpu.vector_store %arg8[%swap3A_26], %broadcast_in_dim3A_3 {strides = array<i32>} : memref<112xf32, #tpu.memory_space<vmem>>, vector<16xf32>,
      %swap3A_28 = arith.constant 48 : index
      %swap3A_29 = tpu.vector_load %arg8[%swap3A_28] {strides = array<i32>} : memref<112xf32, #tpu.memory_space<vmem>>, vector<16xf32>,
      tpu.vector_store %arg8[%swap3A_28], %broadcast_in_dim3A_3 {strides = array<i32>} : memref<112xf32, #tpu.memory_space<vmem>>, vector<16xf32>,
      %swap3A_30 = arith.constant 64 : index
      %swap3A_31 = tpu.vector_load %arg8[%swap3A_30] {strides = array<i32>} : memref<112xf32, #tpu.memory_space<vmem>>, vector<16xf32>,
      tpu.vector_store %arg8[%swap3A_30], %broadcast_in_dim3A_3 {strides = array<i32>} : memref<112xf32, #tpu.memory_space<vmem>>, vector<16xf32>,
      %swap3A_32 = arith.constant 80 : index
      %swap3A_33 = tpu.vector_load %arg8[%swap3A_32] {strides = array<i32>} : memref<112xf32, #tpu.memory_space<vmem>>, vector<16xf32>,
      tpu.vector_store %arg8[%swap3A_32], %broadcast_in_dim3A_3 {strides = array<i32>} : memref<112xf32, #tpu.memory_space<vmem>>, vector<16xf32>,
      %swap3A_34 = arith.constant 96 : index
      %swap3A_35 = tpu.vector_load %arg8[%swap3A_34] {strides = array<i32>} : memref<112xf32, #tpu.memory_space<vmem>>, vector<16xf32>,
      tpu.vector_store %arg8[%swap3A_34], %broadcast_in_dim3A_3 {strides = array<i32>} : memref<112xf32, #tpu.memory_space<vmem>>, vector<16xf32>,
      %swap3A_36 = arith.constant 0 : index
      %swap3A_37 = tpu.vector_load %arg9[%swap3A_36] {strides = array<i32>} : memref<112xf32, #tpu.memory_space<vmem>>, vector<16xf32>,
      tpu.vector_store %arg9[%swap3A_36], %broadcast_in_dim3A_3 {strides = array<i32>} : memref<112xf32, #tpu.memory_space<vmem>>, vector<16xf32>,
      %swap3A_38 = arith.constant 16 : index
      %swap3A_39 = tpu.vector_load %arg9[%swap3A_38] {strides = array<i32>} : memref<112xf32, #tpu.memory_space<vmem>>, vector<16xf32>,
      tpu.vector_store %arg9[%swap3A_38], %broadcast_in_dim3A_3 {strides = array<i32>} : memref<112xf32, #tpu.memory_space<vmem>>, vector<16xf32>,
      %swap3A_40 = arith.constant 32 : index
      %swap3A_41 = tpu.vector_load %arg9[%swap3A_40] {strides = array<i32>} : memref<112xf32, #tpu.memory_space<vmem>>, vector<16xf32>,
      tpu.vector_store %arg9[%swap3A_40], %broadcast_in_dim3A_3 {strides = array<i32>} : memref<112xf32, #tpu.memory_space<vmem>>, vector<16xf32>,
      %swap3A_42 = arith.constant 48 : index
      %swap3A_43 = tpu.vector_load %arg9[%swap3A_42] {strides = array<i32>} : memref<112xf32, #tpu.memory_space<vmem>>, vector<16xf32>,
      tpu.vector_store %arg9[%swap3A_42], %broadcast_in_dim3A_3 {strides = array<i32>} : memref<112xf32, #tpu.memory_space<vmem>>, vector<16xf32>,
      %swap3A_44 = arith.constant 64 : index
      %swap3A_45 = tpu.vector_load %arg9[%swap3A_44] {strides = array<i32>} : memref<112xf32, #tpu.memory_space<vmem>>, vector<16xf32>,
      tpu.vector_store %arg9[%swap3A_44], %broadcast_in_dim3A_3 {strides = array<i32>} : memref<112xf32, #tpu.memory_space<vmem>>, vector<16xf32>,
      %swap3A_46 = arith.constant 80 : index
      %swap3A_47 = tpu.vector_load %arg9[%swap3A_46] {strides = array<i32>} : memref<112xf32, #tpu.memory_space<vmem>>, vector<16xf32>,
      tpu.vector_store %arg9[%swap3A_46], %broadcast_in_dim3A_3 {strides = array<i32>} : memref<112xf32, #tpu.memory_space<vmem>>, vector<16xf32>,
      %swap3A_48 = arith.constant 96 : index
      %swap3A_49 = tpu.vector_load %arg9[%swap3A_48] {strides = array<i32>} : memref<112xf32, #tpu.memory_space<vmem>>, vector<16xf32>,
      tpu.vector_store %arg9[%swap3A_48], %broadcast_in_dim3A_3 {strides = array<i32>} : memref<112xf32, #tpu.memory_space<vmem>>, vector<16xf32>,
      %swap3A_50 = arith.constant 0 : index
      %swap3A_51 = tpu.vector_load %arg10[%swap3A_50] {strides = array<i32>} : memref<112xf32, #tpu.memory_space<vmem>>, vector<16xf32>,
      tpu.vector_store %arg10[%swap3A_50], %broadcast_in_dim3A_3 {strides = array<i32>} : memref<112xf32, #tpu.memory_space<vmem>>, vector<16xf32>,
      %swap3A_52 = arith.constant 16 : index
      %swap3A_53 = tpu.vector_load %arg10[%swap3A_52] {strides = array<i32>} : memref<112xf32, #tpu.memory_space<vmem>>, vector<16xf32>,
      tpu.vector_store %arg10[%swap3A_52], %broadcast_in_dim3A_3 {strides = array<i32>} : memref<112xf32, #tpu.memory_space<vmem>>, vector<16xf32>,
      %swap3A_54 = arith.constant 32 : index
      %swap3A_55 = tpu.vector_load %arg10[%swap3A_54] {strides = array<i32>} : memref<112xf32, #tpu.memory_space<vmem>>, vector<16xf32>,
      tpu.vector_store %arg10[%swap3A_54], %broadcast_in_dim3A_3 {strides = array<i32>} : memref<112xf32, #tpu.memory_space<vmem>>, vector<16xf32>,
      %swap3A_56 = arith.constant 48 : index
      %swap3A_57 = tpu.vector_load %arg10[%swap3A_56] {strides = array<i32>} : memref<112xf32, #tpu.memory_space<vmem>>, vector<16xf32>,
      tpu.vector_store %arg10[%swap3A_56], %broadcast_in_dim3A_3 {strides = array<i32>} : memref<112xf32, #tpu.memory_space<vmem>>, vector<16xf32>,
      %swap3A_58 = arith.constant 64 : index
      %swap3A_59 = tpu.vector_load %arg10[%swap3A_58] {strides = array<i32>} : memref<112xf32, #tpu.memory_space<vmem>>, vector<16xf32>,
      tpu.vector_store %arg10[%swap3A_58], %broadcast_in_dim3A_3 {strides = array<i32>} : memref<112xf32, #tpu.memory_space<vmem>>, vector<16xf32>,
      %swap3A_60 = arith.constant 80 : index
      %swap3A_61 = tpu.vector_load %arg10[%swap3A_60] {strides = array<i32>} : memref<112xf32, #tpu.memory_space<vmem>>, vector<16xf32>,
      tpu.vector_store %arg10[%swap3A_60], %broadcast_in_dim3A_3 {strides = array<i32>} : memref<112xf32, #tpu.memory_space<vmem>>, vector<16xf32>,
      %swap3A_62 = arith.constant 96 : index
      %swap3A_63 = tpu.vector_load %arg10[%swap3A_62] {strides = array<i32>} : memref<112xf32, #tpu.memory_space<vmem>>, vector<16xf32>,
      tpu.vector_store %arg10[%swap3A_62], %broadcast_in_dim3A_3 {strides = array<i32>} : memref<112xf32, #tpu.memory_space<vmem>>, vector<16xf32>,
      %swap3A_64 = arith.constant 0 : index
      %swap3A_65 = tpu.vector_load %arg11[%swap3A_64] {strides = array<i32>} : memref<112xf32, #tpu.memory_space<vmem>>, vector<16xf32>,
      tpu.vector_store %arg11[%swap3A_64], %broadcast_in_dim3A_3 {strides = array<i32>} : memref<112xf32, #tpu.memory_space<vmem>>, vector<16xf32>,
      %swap3A_66 = arith.constant 16 : index
      %swap3A_67 = tpu.vector_load %arg11[%swap3A_66] {strides = array<i32>} : memref<112xf32, #tpu.memory_space<vmem>>, vector<16xf32>,
      tpu.vector_store %arg11[%swap3A_66], %broadcast_in_dim3A_3 {strides = array<i32>} : memref<112xf32, #tpu.memory_space<vmem>>, vector<16xf32>,
      %swap3A_68 = arith.constant 32 : index
      %swap3A_69 = tpu.vector_load %arg11[%swap3A_68] {strides = array<i32>} : memref<112xf32, #tpu.memory_space<vmem>>, vector<16xf32>,
      tpu.vector_store %arg11[%swap3A_68], %broadcast_in_dim3A_3 {strides = array<i32>} : memref<112xf32, #tpu.memory_space<vmem>>, vector<16xf32>,
      %swap3A_70 = arith.constant 48 : index
      %swap3A_71 = tpu.vector_load %arg11[%swap3A_70] {strides = array<i32>} : memref<112xf32, #tpu.memory_space<vmem>>, vector<16xf32>,
      tpu.vector_store %arg11[%swap3A_70], %broadcast_in_dim3A_3 {strides = array<i32>} : memref<112xf32, #tpu.memory_space<vmem>>, vector<16xf32>,
      %swap3A_72 = arith.constant 64 : index
      %swap3A_73 = tpu.vector_load %arg11[%swap3A_72] {strides = array<i32>} : memref<112xf32, #tpu.memory_space<vmem>>, vector<16xf32>,
      tpu.vector_store %arg11[%swap3A_72], %broadcast_in_dim3A_3 {strides = array<i32>} : memref<112xf32, #tpu.memory_space<vmem>>, vector<16xf32>,
      %swap3A_74 = arith.constant 80 : index
      %swap3A_75 = tpu.vector_load %arg11[%swap3A_74] {strides = array<i32>} : memref<112xf32, #tpu.memory_space<vmem>>, vector<16xf32>,
      tpu.vector_store %arg11[%swap3A_74], %broadcast_in_dim3A_3 {strides = array<i32>} : memref<112xf32, #tpu.memory_space<vmem>>, vector<16xf32>,
      %swap3A_76 = arith.constant 96 : index
      %swap3A_77 = tpu.vector_load %arg11[%swap3A_76] {strides = array<i32>} : memref<112xf32, #tpu.memory_space<vmem>>, vector<16xf32>,
      tpu.vector_store %arg11[%swap3A_76], %broadcast_in_dim3A_3 {strides = array<i32>} : memref<112xf32, #tpu.memory_space<vmem>>, vector<16xf32>,
      %swap3A_78 = arith.constant 0 : index
      %swap3A_79 = tpu.vector_load %arg12[%swap3A_78] {strides = array<i32>} : memref<112xf32, #tpu.memory_space<vmem>>, vector<16xf32>,
      tpu.vector_store %arg12[%swap3A_78], %broadcast_in_dim3A_3 {strides = array<i32>} : memref<112xf32, #tpu.memory_space<vmem>>, vector<16xf32>,
      %swap3A_80 = arith.constant 16 : index
      %swap3A_81 = tpu.vector_load %arg12[%swap3A_80] {strides = array<i32>} : memref<112xf32, #tpu.memory_space<vmem>>, vector<16xf32>,
      tpu.vector_store %arg12[%swap3A_80], %broadcast_in_dim3A_3 {strides = array<i32>} : memref<112xf32, #tpu.memory_space<vmem>>, vector<16xf32>,
      %swap3A_82 = arith.constant 32 : index
      %swap3A_83 = tpu.vector_load %arg12[%swap3A_82] {strides = array<i32>} : memref<112xf32, #tpu.memory_space<vmem>>, vector<16xf32>,
      tpu.vector_store %arg12[%swap3A_82], %broadcast_in_dim3A_3 {strides = array<i32>} : memref<112xf32, #tpu.memory_space<vmem>>, vector<16xf32>,
      %swap3A_84 = arith.constant 48 : index
      %swap3A_85 = tpu.vector_load %arg12[%swap3A_84] {strides = array<i32>} : memref<112xf32, #tpu.memory_space<vmem>>, vector<16xf32>,
      tpu.vector_store %arg12[%swap3A_84], %broadcast_in_dim3A_3 {strides = array<i32>} : memref<112xf32, #tpu.memory_space<vmem>>, vector<16xf32>,
      %swap3A_86 = arith.constant 64 : index
      %swap3A_87 = tpu.vector_load %arg12[%swap3A_86] {strides = array<i32>} : memref<112xf32, #tpu.memory_space<vmem>>, vector<16xf32>,
      tpu.vector_store %arg12[%swap3A_86], %broadcast_in_dim3A_3 {strides = array<i32>} : memref<112xf32, #tpu.memory_space<vmem>>, vector<16xf32>,
      %swap3A_88 = arith.constant 80 : index
      %swap3A_89 = tpu.vector_load %arg12[%swap3A_88] {strides = array<i32>} : memref<112xf32, #tpu.memory_space<vmem>>, vector<16xf32>,
      tpu.vector_store %arg12[%swap3A_88], %broadcast_in_dim3A_3 {strides = array<i32>} : memref<112xf32, #tpu.memory_space<vmem>>, vector<16xf32>,
      %swap3A_90 = arith.constant 96 : index
      %swap3A_91 = tpu.vector_load %arg12[%swap3A_90] {strides = array<i32>} : memref<112xf32, #tpu.memory_space<vmem>>, vector<16xf32>,
      tpu.vector_store %arg12[%swap3A_90], %broadcast_in_dim3A_3 {strides = array<i32>} : memref<112xf32, #tpu.memory_space<vmem>>, vector<16xf32>,
      %swap3A_92 = arith.constant 0 : index
      %swap3A_93 = tpu.vector_load %arg13[%swap3A_92] {strides = array<i32>} : memref<112xf32, #tpu.memory_space<vmem>>, vector<16xf32>,
      tpu.vector_store %arg13[%swap3A_92], %broadcast_in_dim3A_3 {strides = array<i32>} : memref<112xf32, #tpu.memory_space<vmem>>, vector<16xf32>,
      %swap3A_94 = arith.constant 16 : index
      %swap3A_95 = tpu.vector_load %arg13[%swap3A_94] {strides = array<i32>} : memref<112xf32, #tpu.memory_space<vmem>>, vector<16xf32>,
      tpu.vector_store %arg13[%swap3A_94], %broadcast_in_dim3A_3 {strides = array<i32>} : memref<112xf32, #tpu.memory_space<vmem>>, vector<16xf32>,
      %swap3A_96 = arith.constant 32 : index
      %swap3A_97 = tpu.vector_load %arg13[%swap3A_96] {strides = array<i32>} : memref<112xf32, #tpu.memory_space<vmem>>, vector<16xf32>,
      tpu.vector_store %arg13[%swap3A_96], %broadcast_in_dim3A_3 {strides = array<i32>} : memref<112xf32, #tpu.memory_space<vmem>>, vector<16xf32>,
      %swap3A_98 = arith.constant 48 : index
      %swap3A_99 = tpu.vector_load %arg13[%swap3A_98] {strides = array<i32>} : memref<112xf32, #tpu.memory_space<vmem>>, vector<16xf32>,
      tpu.vector_store %arg13[%swap3A_98], %broadcast_in_dim3A_3 {strides = array<i32>} : memref<112xf32, #tpu.memory_space<vmem>>, vector<16xf32>,
      %swap3A_100 = arith.constant 64 : index
      %swap3A_101 = tpu.vector_load %arg13[%swap3A_100] {strides = array<i32>} : memref<112xf32, #tpu.memory_space<vmem>>, vector<16xf32>,
      tpu.vector_store %arg13[%swap3A_100], %broadcast_in_dim3A_3 {strides = array<i32>} : memref<112xf32, #tpu.memory_space<vmem>>, vector<16xf32>,
      %swap3A_102 = arith.constant 80 : index
      %swap3A_103 = tpu.vector_load %arg13[%swap3A_102] {strides = array<i32>} : memref<112xf32, #tpu.memory_space<vmem>>, vector<16xf32>,
      tpu.vector_store %arg13[%swap3A_102], %broadcast_in_dim3A_3 {strides = array<i32>} : memref<112xf32, #tpu.memory_space<vmem>>, vector<16xf32>,
      %swap3A_104 = arith.constant 96 : index
      %swap3A_105 = tpu.vector_load %arg13[%swap3A_104] {strides = array<i32>} : memref<112xf32, #tpu.memory_space<vmem>>, vector<16xf32>,
      tpu.vector_store %arg13[%swap3A_104], %broadcast_in_dim3A_3 {strides = array<i32>} : memref<112xf32, #tpu.memory_space<vmem>>, vector<16xf32>,
      %swap3A_106 = arith.constant 0 : index
      %swap3A_107 = tpu.vector_load %arg14[%swap3A_106] {strides = array<i32>} : memref<112xf32, #tpu.memory_space<vmem>>, vector<16xf32>,
      tpu.vector_store %arg14[%swap3A_106], %broadcast_in_dim3A_3 {strides = array<i32>} : memref<112xf32, #tpu.memory_space<vmem>>, vector<16xf32>,
      %swap3A_108 = arith.constant 16 : index
      %swap3A_109 = tpu.vector_load %arg14[%swap3A_108] {strides = array<i32>} : memref<112xf32, #tpu.memory_space<vmem>>, vector<16xf32>,
      tpu.vector_store %arg14[%swap3A_108], %broadcast_in_dim3A_3 {strides = array<i32>} : memref<112xf32, #tpu.memory_space<vmem>>, vector<16xf32>,
      %swap3A_110 = arith.constant 32 : index
      %swap3A_111 = tpu.vector_load %arg14[%swap3A_110] {strides = array<i32>} : memref<112xf32, #tpu.memory_space<vmem>>, vector<16xf32>,
      tpu.vector_store %arg14[%swap3A_110], %broadcast_in_dim3A_3 {strides = array<i32>} : memref<112xf32, #tpu.memory_space<vmem>>, vector<16xf32>,
      %swap3A_112 = arith.constant 48 : index
      %swap3A_113 = tpu.vector_load %arg14[%swap3A_112] {strides = array<i32>} : memref<112xf32, #tpu.memory_space<vmem>>, vector<16xf32>,
      tpu.vector_store %arg14[%swap3A_112], %broadcast_in_dim3A_3 {strides = array<i32>} : memref<112xf32, #tpu.memory_space<vmem>>, vector<16xf32>,
      %swap3A_114 = arith.constant 64 : index
      %swap3A_115 = tpu.vector_load %arg14[%swap3A_114] {strides = array<i32>} : memref<112xf32, #tpu.memory_space<vmem>>, vector<16xf32>,
      tpu.vector_store %arg14[%swap3A_114], %broadcast_in_dim3A_3 {strides = array<i32>} : memref<112xf32, #tpu.memory_space<vmem>>, vector<16xf32>,
      %swap3A_116 = arith.constant 80 : index
      %swap3A_117 = tpu.vector_load %arg14[%swap3A_116] {strides = array<i32>} : memref<112xf32, #tpu.memory_space<vmem>>, vector<16xf32>,
      tpu.vector_store %arg14[%swap3A_116], %broadcast_in_dim3A_3 {strides = array<i32>} : memref<112xf32, #tpu.memory_space<vmem>>, vector<16xf32>,
      %swap3A_118 = arith.constant 96 : index
      %swap3A_119 = tpu.vector_load %arg14[%swap3A_118] {strides = array<i32>} : memref<112xf32, #tpu.memory_space<vmem>>, vector<16xf32>,
      tpu.vector_store %arg14[%swap3A_118], %broadcast_in_dim3A_3 {strides = array<i32>} : memref<112xf32, #tpu.memory_space<vmem>>, vector<16xf32>,
      %parallel_loop3A = arith.constant 0 : i32
      %parallel_loop3A_120 = arith.constant 625 : i32
      %parallel_loop3A_121 = arith.constant 1 : i32
      scf.for %parallel_loop3A_232 = %parallel_loop3A to %parallel_loop3A_120 step %parallel_loop3A_121  : i32 {
        %parallel_loop3A_233 = arith.constant 16 : i32
        %parallel_loop3A_234 = arith.muli %parallel_loop3A_232, %parallel_loop3A_233 : i32
        %parallel_loop3A_235 = tpu.assume_multiple %parallel_loop3A_234, 16 : i32
        %parallel_loop3A_236 = arith.constant 0 : i32
        %parallel_loop3A_237 = arith.index_cast %parallel_loop3A_236 : i32 to index
        %parallel_loop3A_238 = arith.index_cast %parallel_loop3A_235 : i32 to index
        %parallel_loop3A_239 = tpu.vector_load %arg6[%parallel_loop3A_237, %parallel_loop3A_238] {strides = array<i32>} : memref<1x10000xi32, #tpu.memory_space<vmem>>, vector<16xi32>,
        %parallel_loop3A_240 = arith.constant 0 : i32
        %parallel_loop3A_241 = arith.index_cast %parallel_loop3A_240 : i32 to index
        %parallel_loop3A_242 = arith.index_cast %parallel_loop3A_235 : i32 to index
        %parallel_loop3A_243 = tpu.vector_load %arg5[%parallel_loop3A_241, %parallel_loop3A_242] {strides = array<i32>} : memref<8x10000xf32, #tpu.memory_space<vmem>>, vector<16xf32>,
        tpu.vector_store_idx %arg7[%parallel_loop3A_239], %parallel_loop3A_243 {add = true} : memref<112xf32, #tpu.memory_space<vmem>>[vector<16xi32>], vector<16xf32>,
        %parallel_loop3A_244 = arith.constant 1 : i32
        %parallel_loop3A_245 = arith.index_cast %parallel_loop3A_244 : i32 to index
        %parallel_loop3A_246 = arith.index_cast %parallel_loop3A_235 : i32 to index
        %parallel_loop3A_247 = tpu.vector_load %arg5[%parallel_loop3A_245, %parallel_loop3A_246] {strides = array<i32>} : memref<8x10000xf32, #tpu.memory_space<vmem>>, vector<16xf32>,
        tpu.vector_store_idx %arg8[%parallel_loop3A_239], %parallel_loop3A_247 {add = true} : memref<112xf32, #tpu.memory_space<vmem>>[vector<16xi32>], vector<16xf32>,
        %parallel_loop3A_248 = arith.constant 2 : i32
        %parallel_loop3A_249 = arith.index_cast %parallel_loop3A_248 : i32 to index
        %parallel_loop3A_250 = arith.index_cast %parallel_loop3A_235 : i32 to index
        %parallel_loop3A_251 = tpu.vector_load %arg5[%parallel_loop3A_249, %parallel_loop3A_250] {strides = array<i32>} : memref<8x10000xf32, #tpu.memory_space<vmem>>, vector<16xf32>,
        tpu.vector_store_idx %arg9[%parallel_loop3A_239], %parallel_loop3A_251 {add = true} : memref<112xf32, #tpu.memory_space<vmem>>[vector<16xi32>], vector<16xf32>,
        %parallel_loop3A_252 = arith.constant 3 : i32
        %parallel_loop3A_253 = arith.index_cast %parallel_loop3A_252 : i32 to index
        %parallel_loop3A_254 = arith.index_cast %parallel_loop3A_235 : i32 to index
        %parallel_loop3A_255 = tpu.vector_load %arg5[%parallel_loop3A_253, %parallel_loop3A_254] {strides = array<i32>} : memref<8x10000xf32, #tpu.memory_space<vmem>>, vector<16xf32>,
        tpu.vector_store_idx %arg10[%parallel_loop3A_239], %parallel_loop3A_255 {add = true} : memref<112xf32, #tpu.memory_space<vmem>>[vector<16xi32>], vector<16xf32>,
        %parallel_loop3A_256 = arith.constant 4 : i32
        %parallel_loop3A_257 = arith.index_cast %parallel_loop3A_256 : i32 to index
        %parallel_loop3A_258 = arith.index_cast %parallel_loop3A_235 : i32 to index
        %parallel_loop3A_259 = tpu.vector_load %arg5[%parallel_loop3A_257, %parallel_loop3A_258] {strides = array<i32>} : memref<8x10000xf32, #tpu.memory_space<vmem>>, vector<16xf32>,
        tpu.vector_store_idx %arg11[%parallel_loop3A_239], %parallel_loop3A_259 {add = true} : memref<112xf32, #tpu.memory_space<vmem>>[vector<16xi32>], vector<16xf32>,
        %parallel_loop3A_260 = arith.constant 5 : i32
        %parallel_loop3A_261 = arith.index_cast %parallel_loop3A_260 : i32 to index
        %parallel_loop3A_262 = arith.index_cast %parallel_loop3A_235 : i32 to index
        %parallel_loop3A_263 = tpu.vector_load %arg5[%parallel_loop3A_261, %parallel_loop3A_262] {strides = array<i32>} : memref<8x10000xf32, #tpu.memory_space<vmem>>, vector<16xf32>,
        tpu.vector_store_idx %arg12[%parallel_loop3A_239], %parallel_loop3A_263 {add = true} : memref<112xf32, #tpu.memory_space<vmem>>[vector<16xi32>], vector<16xf32>,
        %parallel_loop3A_264 = arith.constant 6 : i32
        %parallel_loop3A_265 = arith.index_cast %parallel_loop3A_264 : i32 to index
        %parallel_loop3A_266 = arith.index_cast %parallel_loop3A_235 : i32 to index
        %parallel_loop3A_267 = tpu.vector_load %arg5[%parallel_loop3A_265, %parallel_loop3A_266] {strides = array<i32>} : memref<8x10000xf32, #tpu.memory_space<vmem>>, vector<16xf32>,
        tpu.vector_store_idx %arg13[%parallel_loop3A_239], %parallel_loop3A_267 {add = true} : memref<112xf32, #tpu.memory_space<vmem>>[vector<16xi32>], vector<16xf32>,
        %parallel_loop3A_268 = arith.constant 7 : i32
        %parallel_loop3A_269 = arith.index_cast %parallel_loop3A_268 : i32 to index
        %parallel_loop3A_270 = arith.index_cast %parallel_loop3A_235 : i32 to index
        %parallel_loop3A_271 = tpu.vector_load %arg5[%parallel_loop3A_269, %parallel_loop3A_270] {strides = array<i32>} : memref<8x10000xf32, #tpu.memory_space<vmem>>, vector<16xf32>,
        tpu.vector_store_idx %arg14[%parallel_loop3A_239], %parallel_loop3A_271 {add = true} : memref<112xf32, #tpu.memory_space<vmem>>[vector<16xi32>], vector<16xf32>,
      } {sc.loop_unroll_factor = 4 : i64, sc.parallel_access}
      %add3A_122 = arith.constant 0 : i32
      %add3A_123 = arith.addi %mul3A_2, %add3A_122 : i32
      %dma_start3A = arith.constant 0 : i32
      %dma_start3A_124 = tpu.memref_slice %arg4[%scan3A_8, %add3A_123, %dma_start3A] : memref<16x256x112xf32, #tpu.memory_space<hbm>> -> memref<1x1x112xf32, #tpu.memory_space<hbm>>
      %dma_start3A_125 = tpu.memref_squeeze %dma_start3A_124 : memref<1x1x112xf32, #tpu.memory_space<hbm>> -> memref<112xf32, #tpu.memory_space<hbm>>
      %dma_start3A_126 = arith.constant 0 : i32
      %dma_start3A_127 = tpu.memref_slice %arg4[%scan3A_8, %add3A_123, %dma_start3A_126] : memref<16x256x112xf32, #tpu.memory_space<hbm>> -> memref<1x1x112xf32, #tpu.memory_space<hbm>>
      %dma_start3A_128 = tpu.memref_squeeze %dma_start3A_127 : memref<1x1x112xf32, #tpu.memory_space<hbm>> -> memref<112xf32, #tpu.memory_space<hbm>>
      tpu.enqueue_dma source(%arg7 : memref<112xf32, #tpu.memory_space<vmem>>) target(%dma_start3A_128 : memref<112xf32, #tpu.memory_space<hbm>>) target_semaphore(%arg15 : memref<!tpu.dma_semaphore, #tpu.memory_space<semaphore_mem>>)
      %add3A_129 = arith.constant 1 : i32
      %add3A_130 = arith.addi %mul3A_2, %add3A_129 : i32
      %dma_start3A_131 = arith.constant 0 : i32
      %dma_start3A_132 = tpu.memref_slice %arg4[%scan3A_8, %add3A_130, %dma_start3A_131] : memref<16x256x112xf32, #tpu.memory_space<hbm>> -> memref<1x1x112xf32, #tpu.memory_space<hbm>>
      %dma_start3A_133 = tpu.memref_squeeze %dma_start3A_132 : memref<1x1x112xf32, #tpu.memory_space<hbm>> -> memref<112xf32, #tpu.memory_space<hbm>>
      %dma_start3A_134 = arith.constant 0 : i32
      %dma_start3A_135 = tpu.memref_slice %arg4[%scan3A_8, %add3A_130, %dma_start3A_134] : memref<16x256x112xf32, #tpu.memory_space<hbm>> -> memref<1x1x112xf32, #tpu.memory_space<hbm>>
      %dma_start3A_136 = tpu.memref_squeeze %dma_start3A_135 : memref<1x1x112xf32, #tpu.memory_space<hbm>> -> memref<112xf32, #tpu.memory_space<hbm>>
      tpu.enqueue_dma source(%arg8 : memref<112xf32, #tpu.memory_space<vmem>>) target(%dma_start3A_136 : memref<112xf32, #tpu.memory_space<hbm>>) target_semaphore(%arg15 : memref<!tpu.dma_semaphore, #tpu.memory_space<semaphore_mem>>)
      %add3A_137 = arith.constant 2 : i32
      %add3A_138 = arith.addi %mul3A_2, %add3A_137 : i32
      %dma_start3A_139 = arith.constant 0 : i32
      %dma_start3A_140 = tpu.memref_slice %arg4[%scan3A_8, %add3A_138, %dma_start3A_139] : memref<16x256x112xf32, #tpu.memory_space<hbm>> -> memref<1x1x112xf32, #tpu.memory_space<hbm>>
      %dma_start3A_141 = tpu.memref_squeeze %dma_start3A_140 : memref<1x1x112xf32, #tpu.memory_space<hbm>> -> memref<112xf32, #tpu.memory_space<hbm>>
      %dma_start3A_142 = arith.constant 0 : i32
      %dma_start3A_143 = tpu.memref_slice %arg4[%scan3A_8, %add3A_138, %dma_start3A_142] : memref<16x256x112xf32, #tpu.memory_space<hbm>> -> memref<1x1x112xf32, #tpu.memory_space<hbm>>
      %dma_start3A_144 = tpu.memref_squeeze %dma_start3A_143 : memref<1x1x112xf32, #tpu.memory_space<hbm>> -> memref<112xf32, #tpu.memory_space<hbm>>
      tpu.enqueue_dma source(%arg9 : memref<112xf32, #tpu.memory_space<vmem>>) target(%dma_start3A_144 : memref<112xf32, #tpu.memory_space<hbm>>) target_semaphore(%arg15 : memref<!tpu.dma_semaphore, #tpu.memory_space<semaphore_mem>>)
      %add3A_145 = arith.constant 3 : i32
      %add3A_146 = arith.addi %mul3A_2, %add3A_145 : i32
      %dma_start3A_147 = arith.constant 0 : i32
      %dma_start3A_148 = tpu.memref_slice %arg4[%scan3A_8, %add3A_146, %dma_start3A_147] : memref<16x256x112xf32, #tpu.memory_space<hbm>> -> memref<1x1x112xf32, #tpu.memory_space<hbm>>
      %dma_start3A_149 = tpu.memref_squeeze %dma_start3A_148 : memref<1x1x112xf32, #tpu.memory_space<hbm>> -> memref<112xf32, #tpu.memory_space<hbm>>
      %dma_start3A_150 = arith.constant 0 : i32
      %dma_start3A_151 = tpu.memref_slice %arg4[%scan3A_8, %add3A_146, %dma_start3A_150] : memref<16x256x112xf32, #tpu.memory_space<hbm>> -> memref<1x1x112xf32, #tpu.memory_space<hbm>>
      %dma_start3A_152 = tpu.memref_squeeze %dma_start3A_151 : memref<1x1x112xf32, #tpu.memory_space<hbm>> -> memref<112xf32, #tpu.memory_space<hbm>>
      tpu.enqueue_dma source(%arg10 : memref<112xf32, #tpu.memory_space<vmem>>) target(%dma_start3A_152 : memref<112xf32, #tpu.memory_space<hbm>>) target_semaphore(%arg15 : memref<!tpu.dma_semaphore, #tpu.memory_space<semaphore_mem>>)
      %add3A_153 = arith.constant 4 : i32
      %add3A_154 = arith.addi %mul3A_2, %add3A_153 : i32
      %dma_start3A_155 = arith.constant 0 : i32
      %dma_start3A_156 = tpu.memref_slice %arg4[%scan3A_8, %add3A_154, %dma_start3A_155] : memref<16x256x112xf32, #tpu.memory_space<hbm>> -> memref<1x1x112xf32, #tpu.memory_space<hbm>>
      %dma_start3A_157 = tpu.memref_squeeze %dma_start3A_156 : memref<1x1x112xf32, #tpu.memory_space<hbm>> -> memref<112xf32, #tpu.memory_space<hbm>>
      %dma_start3A_158 = arith.constant 0 : i32
      %dma_start3A_159 = tpu.memref_slice %arg4[%scan3A_8, %add3A_154, %dma_start3A_158] : memref<16x256x112xf32, #tpu.memory_space<hbm>> -> memref<1x1x112xf32, #tpu.memory_space<hbm>>
      %dma_start3A_160 = tpu.memref_squeeze %dma_start3A_159 : memref<1x1x112xf32, #tpu.memory_space<hbm>> -> memref<112xf32, #tpu.memory_space<hbm>>
      tpu.enqueue_dma source(%arg11 : memref<112xf32, #tpu.memory_space<vmem>>) target(%dma_start3A_160 : memref<112xf32, #tpu.memory_space<hbm>>) target_semaphore(%arg15 : memref<!tpu.dma_semaphore, #tpu.memory_space<semaphore_mem>>)
      %add3A_161 = arith.constant 5 : i32
      %add3A_162 = arith.addi %mul3A_2, %add3A_161 : i32
      %dma_start3A_163 = arith.constant 0 : i32
      %dma_start3A_164 = tpu.memref_slice %arg4[%scan3A_8, %add3A_162, %dma_start3A_163] : memref<16x256x112xf32, #tpu.memory_space<hbm>> -> memref<1x1x112xf32, #tpu.memory_space<hbm>>
      %dma_start3A_165 = tpu.memref_squeeze %dma_start3A_164 : memref<1x1x112xf32, #tpu.memory_space<hbm>> -> memref<112xf32, #tpu.memory_space<hbm>>
      %dma_start3A_166 = arith.constant 0 : i32
      %dma_start3A_167 = tpu.memref_slice %arg4[%scan3A_8, %add3A_162, %dma_start3A_166] : memref<16x256x112xf32, #tpu.memory_space<hbm>> -> memref<1x1x112xf32, #tpu.memory_space<hbm>>
      %dma_start3A_168 = tpu.memref_squeeze %dma_start3A_167 : memref<1x1x112xf32, #tpu.memory_space<hbm>> -> memref<112xf32, #tpu.memory_space<hbm>>
      tpu.enqueue_dma source(%arg12 : memref<112xf32, #tpu.memory_space<vmem>>) target(%dma_start3A_168 : memref<112xf32, #tpu.memory_space<hbm>>) target_semaphore(%arg15 : memref<!tpu.dma_semaphore, #tpu.memory_space<semaphore_mem>>)
      %add3A_169 = arith.constant 6 : i32
      %add3A_170 = arith.addi %mul3A_2, %add3A_169 : i32
      %dma_start3A_171 = arith.constant 0 : i32
      %dma_start3A_172 = tpu.memref_slice %arg4[%scan3A_8, %add3A_170, %dma_start3A_171] : memref<16x256x112xf32, #tpu.memory_space<hbm>> -> memref<1x1x112xf32, #tpu.memory_space<hbm>>
      %dma_start3A_173 = tpu.memref_squeeze %dma_start3A_172 : memref<1x1x112xf32, #tpu.memory_space<hbm>> -> memref<112xf32, #tpu.memory_space<hbm>>
      %dma_start3A_174 = arith.constant 0 : i32
      %dma_start3A_175 = tpu.memref_slice %arg4[%scan3A_8, %add3A_170, %dma_start3A_174] : memref<16x256x112xf32, #tpu.memory_space<hbm>> -> memref<1x1x112xf32, #tpu.memory_space<hbm>>
      %dma_start3A_176 = tpu.memref_squeeze %dma_start3A_175 : memref<1x1x112xf32, #tpu.memory_space<hbm>> -> memref<112xf32, #tpu.memory_space<hbm>>
      tpu.enqueue_dma source(%arg13 : memref<112xf32, #tpu.memory_space<vmem>>) target(%dma_start3A_176 : memref<112xf32, #tpu.memory_space<hbm>>) target_semaphore(%arg15 : memref<!tpu.dma_semaphore, #tpu.memory_space<semaphore_mem>>)
      %add3A_177 = arith.constant 7 : i32
      %add3A_178 = arith.addi %mul3A_2, %add3A_177 : i32
      %dma_start3A_179 = arith.constant 0 : i32
      %dma_start3A_180 = tpu.memref_slice %arg4[%scan3A_8, %add3A_178, %dma_start3A_179] : memref<16x256x112xf32, #tpu.memory_space<hbm>> -> memref<1x1x112xf32, #tpu.memory_space<hbm>>
      %dma_start3A_181 = tpu.memref_squeeze %dma_start3A_180 : memref<1x1x112xf32, #tpu.memory_space<hbm>> -> memref<112xf32, #tpu.memory_space<hbm>>
      %dma_start3A_182 = arith.constant 0 : i32
      %dma_start3A_183 = tpu.memref_slice %arg4[%scan3A_8, %add3A_178, %dma_start3A_182] : memref<16x256x112xf32, #tpu.memory_space<hbm>> -> memref<1x1x112xf32, #tpu.memory_space<hbm>>
      %dma_start3A_184 = tpu.memref_squeeze %dma_start3A_183 : memref<1x1x112xf32, #tpu.memory_space<hbm>> -> memref<112xf32, #tpu.memory_space<hbm>>
      tpu.enqueue_dma source(%arg14 : memref<112xf32, #tpu.memory_space<vmem>>) target(%dma_start3A_184 : memref<112xf32, #tpu.memory_space<hbm>>) target_semaphore(%arg15 : memref<!tpu.dma_semaphore, #tpu.memory_space<semaphore_mem>>)
      %dma_wait3A = arith.constant 0 : i32
      %dma_wait3A_185 = tpu.memref_slice %arg4[%scan3A_8, %add3A_123, %dma_wait3A] : memref<16x256x112xf32, #tpu.memory_space<hbm>> -> memref<1x1x112xf32, #tpu.memory_space<hbm>>
      %dma_wait3A_186 = tpu.memref_squeeze %dma_wait3A_185 : memref<1x1x112xf32, #tpu.memory_space<hbm>> -> memref<112xf32, #tpu.memory_space<hbm>>
      %dma_wait3A_187 = arith.constant 0 : i32
      %dma_wait3A_188 = tpu.memref_slice %arg4[%scan3A_8, %add3A_123, %dma_wait3A_187] : memref<16x256x112xf32, #tpu.memory_space<hbm>> -> memref<1x1x112xf32, #tpu.memory_space<hbm>>
      %dma_wait3A_189 = tpu.memref_squeeze %dma_wait3A_188 : memref<1x1x112xf32, #tpu.memory_space<hbm>> -> memref<112xf32, #tpu.memory_space<hbm>>
      tpu.wait_dma2 semaphore(%arg15 : memref<!tpu.dma_semaphore, #tpu.memory_space<semaphore_mem>>) src(%arg7 : memref<112xf32, #tpu.memory_space<vmem>>) dst(%dma_wait3A_189 : memref<112xf32, #tpu.memory_space<hbm>>)
      %dma_wait3A_190 = arith.constant 0 : i32
      %dma_wait3A_191 = tpu.memref_slice %arg4[%scan3A_8, %add3A_130, %dma_wait3A_190] : memref<16x256x112xf32, #tpu.memory_space<hbm>> -> memref<1x1x112xf32, #tpu.memory_space<hbm>>
      %dma_wait3A_192 = tpu.memref_squeeze %dma_wait3A_191 : memref<1x1x112xf32, #tpu.memory_space<hbm>> -> memref<112xf32, #tpu.memory_space<hbm>>
      %dma_wait3A_193 = arith.constant 0 : i32
      %dma_wait3A_194 = tpu.memref_slice %arg4[%scan3A_8, %add3A_130, %dma_wait3A_193] : memref<16x256x112xf32, #tpu.memory_space<hbm>> -> memref<1x1x112xf32, #tpu.memory_space<hbm>>
      %dma_wait3A_195 = tpu.memref_squeeze %dma_wait3A_194 : memref<1x1x112xf32, #tpu.memory_space<hbm>> -> memref<112xf32, #tpu.memory_space<hbm>>
      tpu.wait_dma2 semaphore(%arg15 : memref<!tpu.dma_semaphore, #tpu.memory_space<semaphore_mem>>) src(%arg8 : memref<112xf32, #tpu.memory_space<vmem>>) dst(%dma_wait3A_195 : memref<112xf32, #tpu.memory_space<hbm>>)
      %dma_wait3A_196 = arith.constant 0 : i32
      %dma_wait3A_197 = tpu.memref_slice %arg4[%scan3A_8, %add3A_138, %dma_wait3A_196] : memref<16x256x112xf32, #tpu.memory_space<hbm>> -> memref<1x1x112xf32, #tpu.memory_space<hbm>>
      %dma_wait3A_198 = tpu.memref_squeeze %dma_wait3A_197 : memref<1x1x112xf32, #tpu.memory_space<hbm>> -> memref<112xf32, #tpu.memory_space<hbm>>
      %dma_wait3A_199 = arith.constant 0 : i32
      %dma_wait3A_200 = tpu.memref_slice %arg4[%scan3A_8, %add3A_138, %dma_wait3A_199] : memref<16x256x112xf32, #tpu.memory_space<hbm>> -> memref<1x1x112xf32, #tpu.memory_space<hbm>>
      %dma_wait3A_201 = tpu.memref_squeeze %dma_wait3A_200 : memref<1x1x112xf32, #tpu.memory_space<hbm>> -> memref<112xf32, #tpu.memory_space<hbm>>
      tpu.wait_dma2 semaphore(%arg15 : memref<!tpu.dma_semaphore, #tpu.memory_space<semaphore_mem>>) src(%arg9 : memref<112xf32, #tpu.memory_space<vmem>>) dst(%dma_wait3A_201 : memref<112xf32, #tpu.memory_space<hbm>>)
      %dma_wait3A_202 = arith.constant 0 : i32
      %dma_wait3A_203 = tpu.memref_slice %arg4[%scan3A_8, %add3A_146, %dma_wait3A_202] : memref<16x256x112xf32, #tpu.memory_space<hbm>> -> memref<1x1x112xf32, #tpu.memory_space<hbm>>
      %dma_wait3A_204 = tpu.memref_squeeze %dma_wait3A_203 : memref<1x1x112xf32, #tpu.memory_space<hbm>> -> memref<112xf32, #tpu.memory_space<hbm>>
      %dma_wait3A_205 = arith.constant 0 : i32
      %dma_wait3A_206 = tpu.memref_slice %arg4[%scan3A_8, %add3A_146, %dma_wait3A_205] : memref<16x256x112xf32, #tpu.memory_space<hbm>> -> memref<1x1x112xf32, #tpu.memory_space<hbm>>
      %dma_wait3A_207 = tpu.memref_squeeze %dma_wait3A_206 : memref<1x1x112xf32, #tpu.memory_space<hbm>> -> memref<112xf32, #tpu.memory_space<hbm>>
      tpu.wait_dma2 semaphore(%arg15 : memref<!tpu.dma_semaphore, #tpu.memory_space<semaphore_mem>>) src(%arg10 : memref<112xf32, #tpu.memory_space<vmem>>) dst(%dma_wait3A_207 : memref<112xf32, #tpu.memory_space<hbm>>)
      %dma_wait3A_208 = arith.constant 0 : i32
      %dma_wait3A_209 = tpu.memref_slice %arg4[%scan3A_8, %add3A_154, %dma_wait3A_208] : memref<16x256x112xf32, #tpu.memory_space<hbm>> -> memref<1x1x112xf32, #tpu.memory_space<hbm>>
      %dma_wait3A_210 = tpu.memref_squeeze %dma_wait3A_209 : memref<1x1x112xf32, #tpu.memory_space<hbm>> -> memref<112xf32, #tpu.memory_space<hbm>>
      %dma_wait3A_211 = arith.constant 0 : i32
      %dma_wait3A_212 = tpu.memref_slice %arg4[%scan3A_8, %add3A_154, %dma_wait3A_211] : memref<16x256x112xf32, #tpu.memory_space<hbm>> -> memref<1x1x112xf32, #tpu.memory_space<hbm>>
      %dma_wait3A_213 = tpu.memref_squeeze %dma_wait3A_212 : memref<1x1x112xf32, #tpu.memory_space<hbm>> -> memref<112xf32, #tpu.memory_space<hbm>>
      tpu.wait_dma2 semaphore(%arg15 : memref<!tpu.dma_semaphore, #tpu.memory_space<semaphore_mem>>) src(%arg11 : memref<112xf32, #tpu.memory_space<vmem>>) dst(%dma_wait3A_213 : memref<112xf32, #tpu.memory_space<hbm>>)
      %dma_wait3A_214 = arith.constant 0 : i32
      %dma_wait3A_215 = tpu.memref_slice %arg4[%scan3A_8, %add3A_162, %dma_wait3A_214] : memref<16x256x112xf32, #tpu.memory_space<hbm>> -> memref<1x1x112xf32, #tpu.memory_space<hbm>>
      %dma_wait3A_216 = tpu.memref_squeeze %dma_wait3A_215 : memref<1x1x112xf32, #tpu.memory_space<hbm>> -> memref<112xf32, #tpu.memory_space<hbm>>
      %dma_wait3A_217 = arith.constant 0 : i32
      %dma_wait3A_218 = tpu.memref_slice %arg4[%scan3A_8, %add3A_162, %dma_wait3A_217] : memref<16x256x112xf32, #tpu.memory_space<hbm>> -> memref<1x1x112xf32, #tpu.memory_space<hbm>>
      %dma_wait3A_219 = tpu.memref_squeeze %dma_wait3A_218 : memref<1x1x112xf32, #tpu.memory_space<hbm>> -> memref<112xf32, #tpu.memory_space<hbm>>
      tpu.wait_dma2 semaphore(%arg15 : memref<!tpu.dma_semaphore, #tpu.memory_space<semaphore_mem>>) src(%arg12 : memref<112xf32, #tpu.memory_space<vmem>>) dst(%dma_wait3A_219 : memref<112xf32, #tpu.memory_space<hbm>>)
      %dma_wait3A_220 = arith.constant 0 : i32
      %dma_wait3A_221 = tpu.memref_slice %arg4[%scan3A_8, %add3A_170, %dma_wait3A_220] : memref<16x256x112xf32, #tpu.memory_space<hbm>> -> memref<1x1x112xf32, #tpu.memory_space<hbm>>
      %dma_wait3A_222 = tpu.memref_squeeze %dma_wait3A_221 : memref<1x1x112xf32, #tpu.memory_space<hbm>> -> memref<112xf32, #tpu.memory_space<hbm>>
      %dma_wait3A_223 = arith.constant 0 : i32
      %dma_wait3A_224 = tpu.memref_slice %arg4[%scan3A_8, %add3A_170, %dma_wait3A_223] : memref<16x256x112xf32, #tpu.memory_space<hbm>> -> memref<1x1x112xf32, #tpu.memory_space<hbm>>
      %dma_wait3A_225 = tpu.memref_squeeze %dma_wait3A_224 : memref<1x1x112xf32, #tpu.memory_space<hbm>> -> memref<112xf32, #tpu.memory_space<hbm>>
      tpu.wait_dma2 semaphore(%arg15 : memref<!tpu.dma_semaphore, #tpu.memory_space<semaphore_mem>>) src(%arg13 : memref<112xf32, #tpu.memory_space<vmem>>) dst(%dma_wait3A_225 : memref<112xf32, #tpu.memory_space<hbm>>)
      %dma_wait3A_226 = arith.constant 0 : i32
      %dma_wait3A_227 = tpu.memref_slice %arg4[%scan3A_8, %add3A_178, %dma_wait3A_226] : memref<16x256x112xf32, #tpu.memory_space<hbm>> -> memref<1x1x112xf32, #tpu.memory_space<hbm>>
      %dma_wait3A_228 = tpu.memref_squeeze %dma_wait3A_227 : memref<1x1x112xf32, #tpu.memory_space<hbm>> -> memref<112xf32, #tpu.memory_space<hbm>>
      %dma_wait3A_229 = arith.constant 0 : i32
      %dma_wait3A_230 = tpu.memref_slice %arg4[%scan3A_8, %add3A_178, %dma_wait3A_229] : memref<16x256x112xf32, #tpu.memory_space<hbm>> -> memref<1x1x112xf32, #tpu.memory_space<hbm>>
      %dma_wait3A_231 = tpu.memref_squeeze %dma_wait3A_230 : memref<1x1x112xf32, #tpu.memory_space<hbm>> -> memref<112xf32, #tpu.memory_space<hbm>>
      tpu.wait_dma2 semaphore(%arg15 : memref<!tpu.dma_semaphore, #tpu.memory_space<semaphore_mem>>) src(%arg14 : memref<112xf32, #tpu.memory_space<vmem>>) dst(%dma_wait3A_231 : memref<112xf32, #tpu.memory_space<hbm>>)
    }
    %scan3A_7 = arith.constant 16 : i32
    return
  }
}

module attributes {stable_mosaic.version = 14 : i64} {
  func.func @_dht_body(%arg0: i32, %arg1: memref<256x10000xbf16, #tpu.memory_space<vmem>>, %arg2: memref<4x1x10000xi32, #tpu.memory_space<vmem>>, %arg3: memref<1x256x400xf32, #tpu.memory_space<vmem>>) attributes {dimension_semantics = [#tpu.dimension_semantics<arbitrary>], iteration_bounds = array<i64: 21>, scalar_prefetch = 0 : i64, scratch_operands = 0 : i64, tpu.core_type = #tpu.core_type<tc>, window_params = [{pipeline_mode = #tpu.pipeline_mode<synchronous>, transform_indices = @transform_0, window_bounds = array<i64: 256, 10000>}, {transform_indices = @transform_1, window_bounds = array<i64: 4, 1, 10000>}, {transform_indices = @transform_2, window_bounds = array<i64: 1, 256, 400>}]} {
    %iota3A = tpu.iota {dimensions = array<i32: 0>} : vector<100x10000xi32>
    %get3A = arith.constant 0 : index
    %get3A_0 = arith.constant 0 : index
    %get3A_1 = arith.constant 0 : index
    %get3A_2 = vector.load %arg2[%get3A, %get3A_0, %get3A_1] : memref<4x1x10000xi32, #tpu.memory_space<vmem>>, vector<1x1x10000xi32>
    %get3A_3 = vector.shape_cast %get3A_2 : vector<1x1x10000xi32> to vector<10000xi32>
    %broadcast_in_dim3A = vector.shape_cast %get3A_3 : vector<10000xi32> to vector<1x10000xi32>
    %eq3A = vector.broadcast %broadcast_in_dim3A : vector<1x10000xi32> to vector<100x10000xi32>
    %eq3A_4 = arith.cmpi eq, %iota3A, %eq3A : vector<100x10000xi32>
    %convert_element_type3A = arith.extui %eq3A_4 : vector<100x10000xi1> to vector<100x10000xi32>
    %convert_element_type3A_5 = arith.sitofp %convert_element_type3A : vector<100x10000xi32> to vector<100x10000xf32>
    %convert_element_type3A_6 = arith.truncf %convert_element_type3A_5 : vector<100x10000xf32> to vector<100x10000xbf16>
    %get3A_7 = arith.constant 1 : index
    %get3A_8 = arith.constant 0 : index
    %get3A_9 = arith.constant 0 : index
    %get3A_10 = vector.load %arg2[%get3A_7, %get3A_8, %get3A_9] : memref<4x1x10000xi32, #tpu.memory_space<vmem>>, vector<1x1x10000xi32>
    %get3A_11 = vector.shape_cast %get3A_10 : vector<1x1x10000xi32> to vector<10000xi32>
    %broadcast_in_dim3A_12 = vector.shape_cast %get3A_11 : vector<10000xi32> to vector<1x10000xi32>
    %eq3A_13 = vector.broadcast %broadcast_in_dim3A_12 : vector<1x10000xi32> to vector<100x10000xi32>
    %eq3A_14 = arith.cmpi eq, %iota3A, %eq3A_13 : vector<100x10000xi32>
    %convert_element_type3A_15 = arith.extui %eq3A_14 : vector<100x10000xi1> to vector<100x10000xi32>
    %convert_element_type3A_16 = arith.sitofp %convert_element_type3A_15 : vector<100x10000xi32> to vector<100x10000xf32>
    %convert_element_type3A_17 = arith.truncf %convert_element_type3A_16 : vector<100x10000xf32> to vector<100x10000xbf16>
    %get3A_18 = arith.constant 2 : index
    %get3A_19 = arith.constant 0 : index
    %get3A_20 = arith.constant 0 : index
    %get3A_21 = vector.load %arg2[%get3A_18, %get3A_19, %get3A_20] : memref<4x1x10000xi32, #tpu.memory_space<vmem>>, vector<1x1x10000xi32>
    %get3A_22 = vector.shape_cast %get3A_21 : vector<1x1x10000xi32> to vector<10000xi32>
    %broadcast_in_dim3A_23 = vector.shape_cast %get3A_22 : vector<10000xi32> to vector<1x10000xi32>
    %eq3A_24 = vector.broadcast %broadcast_in_dim3A_23 : vector<1x10000xi32> to vector<100x10000xi32>
    %eq3A_25 = arith.cmpi eq, %iota3A, %eq3A_24 : vector<100x10000xi32>
    %convert_element_type3A_26 = arith.extui %eq3A_25 : vector<100x10000xi1> to vector<100x10000xi32>
    %convert_element_type3A_27 = arith.sitofp %convert_element_type3A_26 : vector<100x10000xi32> to vector<100x10000xf32>
    %convert_element_type3A_28 = arith.truncf %convert_element_type3A_27 : vector<100x10000xf32> to vector<100x10000xbf16>
    %get3A_29 = arith.constant 3 : index
    %get3A_30 = arith.constant 0 : index
    %get3A_31 = arith.constant 0 : index
    %get3A_32 = vector.load %arg2[%get3A_29, %get3A_30, %get3A_31] : memref<4x1x10000xi32, #tpu.memory_space<vmem>>, vector<1x1x10000xi32>
    %get3A_33 = vector.shape_cast %get3A_32 : vector<1x1x10000xi32> to vector<10000xi32>
    %broadcast_in_dim3A_34 = vector.shape_cast %get3A_33 : vector<10000xi32> to vector<1x10000xi32>
    %eq3A_35 = vector.broadcast %broadcast_in_dim3A_34 : vector<1x10000xi32> to vector<100x10000xi32>
    %eq3A_36 = arith.cmpi eq, %iota3A, %eq3A_35 : vector<100x10000xi32>
    %convert_element_type3A_37 = arith.extui %eq3A_36 : vector<100x10000xi1> to vector<100x10000xi32>
    %convert_element_type3A_38 = arith.sitofp %convert_element_type3A_37 : vector<100x10000xi32> to vector<100x10000xf32>
    %convert_element_type3A_39 = arith.truncf %convert_element_type3A_38 : vector<100x10000xf32> to vector<100x10000xbf16>
    %concatenate3A = tpu.concatenate %convert_element_type3A_6, %convert_element_type3A_17, %convert_element_type3A_28, %convert_element_type3A_39 in 0 : vector<100x10000xbf16>, vector<100x10000xbf16>, vector<100x10000xbf16>, vector<100x10000xbf16> -> vector<400x10000xbf16>
    %get3A_40 = arith.constant 0 : index
    %get3A_41 = arith.constant 0 : index
    %get3A_42 = vector.load %arg1[%get3A_40, %get3A_41] : memref<256x10000xbf16, #tpu.memory_space<vmem>>, vector<256x10000xbf16>
    %dot_general3A = arith.constant dense<0.000000e+00> : vector<256x400xf32>
    %dot_general3A_43 = tpu.matmul %get3A_42, %concatenate3A, %dot_general3A {dimension_numbers = #tpu.dot_dimension_numbers<[1], [1], [0], [0], [0, 0, 1, 0], [], []>, transpose_lhs_hint = false} : vector<256x10000xbf16>, vector<400x10000xbf16>, vector<256x400xf32> -> vector<256x400xf32>
    %swap3A = arith.constant 0 : index
    %swap3A_44 = arith.constant 0 : index
    %swap3A_45 = arith.constant 0 : index
    %swap3A_46 = vector.load %arg3[%swap3A, %swap3A_44, %swap3A_45] : memref<1x256x400xf32, #tpu.memory_space<vmem>>, vector<1x256x400xf32>
    %swap3A_47 = vector.shape_cast %swap3A_46 : vector<1x256x400xf32> to vector<256x400xf32>
    %swap3A_48 = vector.shape_cast %dot_general3A_43 : vector<256x400xf32> to vector<1x256x400xf32>
    tpu.vector_store %arg3[%swap3A, %swap3A_44, %swap3A_45], %swap3A_48 {strides = array<i32>} : memref<1x256x400xf32, #tpu.memory_space<vmem>>, vector<1x256x400xf32>,
    return
  }
  func.func @transform_0(%arg0: i32) -> (i32, i32) {
    %c0_i32 = arith.constant 0 : i32
    %c0_i32_0 = arith.constant 0 : i32
    %c0_i32_1 = arith.constant 0 : i32
    return %c0_i32, %c0_i32_0 : i32, i32
  }
  func.func @transform_1(%arg0: i32) -> (i32, i32, i32) {
    %c0_i32 = arith.constant 0 : i32
    %c0_i32_0 = arith.constant 0 : i32
    %c0_i32_1 = arith.constant 0 : i32
    return %arg0, %c0_i32, %c0_i32_0 : i32, i32, i32
  }
  func.func @transform_2(%arg0: i32) -> (i32, i32, i32) {
    %c0_i32 = arith.constant 0 : i32
    %c0_i32_0 = arith.constant 0 : i32
    %c0_i32_1 = arith.constant 0 : i32
    return %arg0, %c0_i32, %c0_i32_0 : i32, i32, i32
  }
}

</mosaic_0001>

<sc_bundles>
// kernel: kernel.4.cloned.1.call-start
scs
__scs_entry_jumppad:
0x0: {  	(pc) =	sbr.rel $0x88, $3  }
0x1: {  	(tag) =	ssettag $0x0;
	lr =	simm.s32 $0x1  }
0x2: {  	[smem:$0x3FA0] =	sst lr;
	_ =	strace $0xD0000000  }
0x3: {  	_ = 	snop  }
0x4: {  	_ = 	snop  }
0x5: {  	_ = 	snop  }
0x6: {  	_ = 	snop  }
0x7: {  	_ = 	snop  }
__scs_overlays_trampoline_lowered:
0x8: {  	[smem:$0x3FAF] =	sst s0  }
0x9: {  	[smem:$0x3FB0] =	sst s1  }
0xa: {  	[smem:$0x3FB1] =	sst s2  }
0xb: {  	[smem:$0x3FB2] =	sst s3  }
0xc: {  	[smem:$0x3FB3] =	sst s4  }
0xd: {  	[smem:$0x3FB4] =	sst s5  }
0xe: {  	[smem:$0x3FB5] =	sst s6  }
0xf: {  	[smem:$0x3FB6] =	sst s7  }
0x10: {  	[smem:$0x3FB7] =	sst s8  }
0x11: {  	[smem:$0x3FB8] =	sst s9;
	s0 =	simm.s32 @!p0 $0x0  }
0x12: {  	s1 =	sld [smem:$0x3F9E];
	s0 =	simm.s32 @p0 $0x1  }
0x13: {  	[smem:$0x3FB9] =	sst s0;
	s0 =	simm.s32 @!p1 $0x0  }
0x14: {  	s2 =	sld [smem:$0x3F9D];
	s0 =	simm.s32 @p1 $0x1  }
0x15: {  	[smem:$0x3FBA] =	sst s0;
	s0 =	simm.s32 @!p2 $0x0  }
0x16: {  	s3 =	sld [smem:$0x3FDB];
	s0 =	simm.s32 @p2 $0x1  }
0x17: {  	s4 =	simm.s32 $0x1BF5;
	[smem:$0x3FBC] =	sst s0  }
0x18: {  	s0 =	sld [smem:$0x3F9F];
	_ =	swait.ge [sflag:s4], $0x0  }
0x19: {  	s7 =	sld [smem:$0x3FA0]  }
0x1a: {  	s8 =	sadd.s32 $0xFFFFE003, lr  }
0x1b: {  	s9 =	sadd.s32 $0xFFFFFEF7, lr;
	s5 =	simm.s32 $0xFFFFFFFF;
	p2 =	slt.u32 s8, $0xFFFFF086  }
0x1c: {  	p1 =	slt.u32 s9, $0xF7A;
	s5 =	simm.s32 @!p2 $0x0  }
0x1d: {  	s5 =	simm.s32 @p1 $0x1;
	p0 =	seq.s32 s7, s2  }
0x1e: {  	s7 =	smul.u32 @!p0 $0xF7A, s2;
	p2 =	seq.s32 @!p0 s5, $0x0  }
0x1f: {  	s9 =	smul.u32 $0xF7A, s1;
	s8 =	simm.s32 @!p0 $0x1BF5;
	p2 =	por !p2, p0  }
0x20: {  	[sflag:s8] =	ssyncset.s32 @!p0 $0xFFFFF086;
	s6 =	sadd.s32 @!p0 s3, s7;
	s7 =	simm.s32 @!p0 $0x108  }
0x21: {  	s3 =	sadd.s32 s3, s9;
	s6 =	sadd.s32 @!p0 $0x88, s6;
	s7 =	simm.s32 @p2 $0x1082  }
0x22: {  	[simem:s7], [sflag:s8] =	dma.local @!p0 [hbm:s6], $0xF7A  }
0x23: {  	s9 =	sor.u32 $0xD0000000, s2;
	s6 =	simm.s32 $0x108;
	_ =	swait.ge @!p0 [sflag:s8], $0x0  }
0x24: {  	s3 =	sadd.s32 $0x88, s3;
	s6 =	simm.s32 @!p1 $0x1082;
	[sflag:s4] =	ssyncset.s32 $0xFFFFF086  }
0x25: {  	[simem:s6], [sflag:s4] =	dma.local [hbm:s3], $0xF7A  }
0x26: {  	[smem:$0x3FA0] =	sst s1;
	(tag) =	ssettag s2;
	_ =	strace s9  }
0x27: {  	s1 =	sld [smem:$0x3FB0]  }
0x28: {  	s2 =	sld [smem:$0x3FB1]  }
0x29: {  	s4 =	sld [smem:$0x3FB3]  }
0x2a: {  	p0 =	seq.s32 s5, $0x0;
	s5 =	sld [smem:$0x3FB4]  }
0x2b: {  	s6 =	sld [smem:$0x3FB5]  }
0x2c: {  	s7 =	sld [smem:$0x3FB6]  }
0x2d: {  	s3 =	simm.s32 $0x108;
	s8 =	sld [smem:$0x3FB7]  }
0x2e: {  	s3 =	simm.s32 @!p0 $0x1082;
	s9 =	sld [smem:$0x3FB8]  }
0x2f: {  	lr =	sadd.s32 s0, s3;
	s0 =	sld [smem:$0x3FAF]  }
0x30: {  	s3 =	sld [smem:$0x3FB2]  }
0x31: {  	[smem:$0x3FBB] =	sst s10  }
0x32: {  	s10 =	sld [smem:$0x3FB9];
	_ =	sdelay $0x3  }
0x33: {  	p0 =	seq.s32 s10, $0x1;
	s10 =	sld [smem:$0x3FBB];
	_ =	sdelay $0x3  }
0x34: {  	[smem:$0x3FBB] =	sst s10  }
0x35: {  	s10 =	sld [smem:$0x3FBA];
	_ =	sdelay $0x3  }
0x36: {  	p1 =	seq.s32 s10, $0x1;
	s10 =	sld [smem:$0x3FBB];
	_ =	sdelay $0x3  }
0x37: {  	[smem:$0x3FBB] =	sst s10  }
0x38: {  	s10 =	sld [smem:$0x3FBC]  }
0x39: {  	_ = 	snop;
	(pc) =	sbr.ind lr, $3  }
0x3a: {  	_ = 	snop  }
0x3b: {  	_ = 	snop  }
0x3c: {  	p2 =	seq.s32 s10, $0x1;
	s10 =	sld [smem:$0x3FBB]  }
0x3d: {  	_ =	shalt  }
0x3e: {  	_ =	shalt  }
0x3f: {  	_ =	shalt  }
0x40: {  	_ =	shalt  }
0x41: {  	_ =	shalt  }
0x42: {  	_ =	shalt  }
0x43: {  	_ =	shalt  }
0x44: {  	_ =	shalt  }
0x45: {  	_ =	shalt  }
0x46: {  	_ =	shalt  }
0x47: {  	_ =	shalt  }
0x48: {  	_ =	shalt  }
0x49: {  	_ =	shalt  }
0x4a: {  	_ =	shalt  }
0x4b: {  	_ =	shalt  }
0x4c: {  	_ =	shalt  }
0x4d: {  	_ =	shalt  }
0x4e: {  	_ =	shalt  }
0x4f: {  	_ =	shalt  }
0x50: {  	_ =	shalt  }
0x51: {  	_ =	shalt  }
0x52: {  	_ =	shalt  }
0x53: {  	_ =	shalt  }
0x54: {  	_ =	shalt  }
0x55: {  	_ =	shalt  }
0x56: {  	_ =	shalt  }
0x57: {  	_ =	shalt  }
0x58: {  	_ =	shalt  }
0x59: {  	_ =	shalt  }
0x5a: {  	_ =	shalt  }
0x5b: {  	_ =	shalt  }
0x5c: {  	_ =	shalt  }
0x5d: {  	_ =	shalt  }
0x5e: {  	_ =	shalt  }
0x5f: {  	_ =	shalt  }
0x60: {  	_ =	shalt  }
0x61: {  	_ =	shalt  }
0x62: {  	_ =	shalt  }
0x63: {  	_ =	shalt  }
0x64: {  	_ =	shalt  }
0x65: {  	_ =	shalt  }
0x66: {  	_ =	shalt  }
0x67: {  	_ =	shalt  }
0x68: {  	_ =	shalt  }
0x69: {  	_ =	shalt  }
0x6a: {  	_ =	shalt  }
0x6b: {  	_ =	shalt  }
0x6c: {  	_ =	shalt  }
0x6d: {  	_ =	shalt  }
0x6e: {  	_ =	shalt  }
0x6f: {  	_ =	shalt  }
0x70: {  	_ =	shalt  }
0x71: {  	_ =	shalt  }
0x72: {  	_ =	shalt  }
0x73: {  	_ =	shalt  }
0x74: {  	_ =	shalt  }
0x75: {  	_ =	shalt  }
0x76: {  	_ =	shalt  }
0x77: {  	_ =	shalt  }
0x78: {  	_ =	shalt  }
0x79: {  	_ =	shalt  }
0x7a: {  	_ =	shalt  }
0x7b: {  	_ =	shalt  }
0x7c: {  	_ =	shalt  }
0x7d: {  	_ =	shalt  }
0x7e: {  	_ =	shalt  }
0x7f: {  	_ =	shalt  }
0x80: {  	_ =	shalt  }
0x81: {  	_ =	shalt  }
0x82: {  	_ =	shalt  }
0x83: {  	_ =	shalt  }
0x84: {  	_ =	shalt  }
0x85: {  	_ =	shalt  }
0x86: {  	_ =	shalt  }
0x87: {  	_ =	shalt  }
.Lfunc_end0:
.L_simem_size_0:
called_computation_lowered:
.L_overlay_start_0:
0x88: {  	s2 =	sld [smem:$0x3FD9]  }
0x89: {  	s3 =	sld [smem:$0x3FFE];
	_ =	sdelay $0x1  }
0x8a: {  	s1 =	srdreg.scid  }
0x8b: {  	s0 =	sand.u32 $0x1, s1  }
0x8c: {  	s17 =	sshll.u32 s0, $0xA;
	s2 =	sadd.s32 s3, s2  }
0x8d: {  	s2 =	sadd.s32 s2, s17  }
0x8e: {  	[smem:$0x3FC7] =	sst s2  }
0x8f: {  	_ = 	snop  }
0x90: {  	s2 =	sld [smem:$0x3FD0];
	(tm) =	ssettm $0x1  }
0x91: {  	s18 =	sld [smem:$0x3FFB];
	_ =	sdelay $0x3  }
0x92: {  	_ =	strace s18  }
0x93: {  	s3 =	sld [smem:$0x3FFC];
	_ =	sdelay $0x3  }
0x94: {  	_ =	strace s3  }
0x95: {  	s3 =	sld [smem:$0x3FFD];
	_ =	sdelay $0x3  }
0x96: {  	_ =	strace s3  }
0x97: {  	_ =	strace $0x8FFFFFFF  }
0x98: {  	s19 =	sld [smem:$0x3FDB];
	_ =	sdelay $0x1  }
0x99: {  	s4 =	simm.s32 $_scs_section_size  }
0x9a: {  	s5 =	simm.s32 $_size__tile_overlayer_lowered;
	s6 =	simm.s32 $_tile_overlayer_lowered  }
0x9b: {  	s22 =	simm.s32 $0x1BFF;
	s21 =	sshll.u32 s6, $0x1;
	s3 =	sadd.s32 s4, s19  }
0x9c: {  	s7 =	simm.s32 $0x0;
	s20 =	sshll.u32 s5, $0x1;
	s5 =	sadd.s32 s21, s3  }
0x9d: {  	[timem:s7], [sflag:s22] =	dma.local [hbm:s5], s20  }
0x9e: {  	_ =	swait.ge [sflag:s22], s20  }
0x9f: {  	s4 =	ssub.s32 $0x0, s20;
	[sflag:s22] =	ssyncset.done $0x0  }
0xa0: {  	[sflag:s22] =	ssyncadd.s32 s4;
	_ =	sdelay $0x1  }
0xa1: {  	s23 =	simm.s32 $0x1B8B  }
0xa2: {  	_ =	swait.ge [sflag:s23], $0x1  }
0xa3: {  	[sflag:s23] =	ssyncset.done $0x0  }
0xa4: {  	s25 =	simm.s32 $0x1B8E;
	s24 =	sld [smem:$0x3FFE];
	[sflag:s23] =	ssyncadd.s32 $0xFFFFFFFF  }
0xa5: {  	s26 =	simm.s32 $execute0_lowered;
	[smem:$0x3FD2] =	sst s25  }
0xa6: {  	s5 =	sshll.u32 s26, $0x1;
	_ =	strace $0x80000046;
	[dreg:$0x1] =	wrdreg $0xFFFFFFFF  }
0xa7: {  	s28 =	simm.s32 $_size_execute0_lowered;
	s3 =	sadd.s32 s3, s5;
	[dreg:$0x0] =	wrdreg $0x0  }
0xa8: {  	s5 =	sshll.u32 s28, $0x1;
	[dreg:$0x2] =	wrdreg s3  }
0xa9: {  	[dreg:$0x3] =	wrdreg s5  }
0xaa: {  	[dreg:$0x4] =	wrdreg $0xC0  }
0xab: {  	_ =	task [dreg:s7], $0x5FFFF  }
0xac: {  	[dreg:$0x1] =	wrdreg $0xFFFFFFFF  }
0xad: {  	[dreg:$0x0] =	wrdreg $0x60  }
0xae: {  	[dreg:$0x2] =	wrdreg s24  }
0xaf: {  	[dreg:$0x3] =	wrdreg s2  }
0xb0: {  	[dreg:$0x4] =	wrdreg $0x9  }
0xb1: {  	_ =	task.clear_ibuf [dreg:s7], $0x5FFFF;
	_ =	strace $0x90000046  }
0xb2: {  	s29 =	simm.s32 $0x9;
	_ =	strace $0x80000048  }
0xb3: {  	_ =	swait.ge [sflag:s29], $0x1  }
0xb4: {  	[sflag:s29] =	ssyncadd.s32 $0xFFFFFFFF  }
0xb5: {  	_ =	strace $0x90000048  }
0xb6: {  	_ =	sfence  }
0xb7: {  	s30 =	sld [smem:$0x0];
	_ =	sdelay $0x2  }
0xb8: {  	s31 =	sshll.u32 s1, $0xD;
	s1 =	sshrl.u32 s1, $0x2  }
0xb9: {  	s3 =	sand.u32 $0x4000, s31;
	s1 =	sadd.s32 s1, s30  }
0xba: {  	s0 =	sor.u32 s3, s0;
	s1 =	sshll.u32 s1, $0x11  }
0xbb: {  	s0 =	sor.u32 s1, s0  }
0xbc: {  	s0 =	sadd.s32 $0x8F2B, s0  }
0xbd: {  	[sflag:s0] =	ssyncadd.remote.s32 $0x1  }
0xbe: {  	_ =	sfence.sel $0xFFFF  }
0xbf: {  	[dreg:$0x0] =	wrdreg $0xFFFFFFFF;
	(pc) =	sbr.abs _section_cstart, $3  }
0xc0: {  	[dreg:$0x1] =	wrdreg $0xFFFFFFFF  }
0xc1: {  	_ =	task.clear_ibuf [dreg:s7], $0x2FFFF;
	_ =	strace $0x9FFFFFFF  }
0xc2: {  	(tm) =	ssettm $0x7FFFFFFF  }
0xc3: {  	_ =	shalt  }
tec
execute0_lowered:
.L_overlay_start_1:
0x0: {  	(tag) =	ssettag $0x1  }
0x1: {  	s0 =	srdreg.scid;
	s1 =	rddreg [dreg:$0x0]  }
0x2: {  	s2 =	stileid.u32;
	s5 =	rddreg [dreg:$0x1];
	s6 =	simm.s32 $0x0  }
0x3: {  	s18 =	simm.s32 $0x1;
	[smem:$0x7FF] =	sst s6;
	s24 =	sadd.s32 $0x10, s5  }
0x4: {  	s25 =	sadd.s32 $0x20, s5;
	_ =	strace $0x80000047;
	[dreg:$0x6] =	wrdreg s24  }
0x5: {  	s19 =	simm.s32 $0x16380;
	s26 =	sadd.s32 $0x30, s5;
	[dreg:$0x7] =	wrdreg s25  }
0x6: {  	s20 =	simm.s32 $0x16400;
	s28 =	sadd.s32 $0x40, s5;
	[dreg:$0x8] =	wrdreg s26  }
0x7: {  	s0 =	sand.u32 $0x1, s0;
	s29 =	sadd.s32 $0x50, s5;
	[dreg:$0x9] =	wrdreg s28  }
0x8: {  	s2 =	sshll.u32 s2, $0x4;
	s30 =	sadd.s32 $0x60, s5;
	[dreg:$0xa] =	wrdreg s29  }
0x9: {  	s31 =	sadd.s32 $0x70, s5;
	s3 =	sshll.u32 s0, $0x3;
	[dreg:$0xb] =	wrdreg s30  }
0xa: {  	s0 =	ssub.s32 $0x2, s0;
	[dreg:$0xc] =	wrdreg s31;
	s24 =	simm.s32 $0x16600  }
0xb: {  	s25 =	simm.s32 $0x16680;
	s26 =	simm.s32 $0x16700;
	s2 =	sor.u32 s3, s2  }
0xc: {  	s3 =	simm.s32 $0x0;
	s21 =	sshrl.u32 s0, $0x1;
	s4 =	sshrl.u32 s2, $0x3  }
0xd: {  	s0 =	ssub.s32 s0, s21;
	s23 =	sshll.u32 s2, $0x4;
	s4 =	smul.u32 $0x2780, s4  }
0xe: {  	s21 =	simm.s32 $0x16480;
	[dreg:$0x5] =	wrdreg s23;
	s0 =	smax.u32 s0, $0x1  }
0xf: {  	[dreg:$0xd] =	wrdreg s0;
	s4 =	sadd.s32 s4, s1;
	s1 =	sadd.s32 $0x50600, s1  }
0x10: {  	s23 =	simm.s32 $0x16580;
	[dreg:$0x3] =	wrdreg s1;
	s22 =	sadd.s32 $0x1600, s4  }
0x11: {  	v0 =	vimm.f32 $0.0e+00;
	s1 =	simm.s32 $0x0;
	[dreg:$0x4] =	wrdreg s22;
	s22 =	simm.s32 $0x16500  }
.LBB2_1:
0x12: {  	[dreg:$0xe] =	wrdreg s1  }
0x13: {  	s0 =	rddreg [dreg:$0x4];
	s31 =	simm.s32 $0x2  }
0x14: {  	[tilespmem:s3], [sflag:$0x2] =	stream.linear.gather [hbm4b:s0+s3], $0x13C00, $0x38;
	[tilespmem:$0x16780] =	vst v63  }
0x15: {  	_ =	swait.ge [sflag:s31], $0x13C00  }
0x16: {  	[sflag:s31] =	ssyncset.done $0x0  }
0x17: {  	s29 =	simm.s32 $0x0;
	[sflag:s31] =	ssyncadd.s32 $0xFFFEC400  }
.LBB2_2:
0x18: {  	s0 =	sshrl.u32 s29, $0x3  }
0x19: {  	s1 =	sshll.u32 s29, $0x7;
	s0 =	smul.u32 $0x13C00, s0  }
0x1a: {  	s1 =	sand.u32 $0x380, s1  }
0x1b: {  	s7 =	rddreg [dreg:$0x3];
	s0 =	sor.u32 s1, s0  }
0x1c: {  	s8 =	simm.s32 $0x13C00;
	s2 =	simm.s32 $0x80;
	s0 =	sshrl.u32 s0, $0x3  }
0x1d: {  	s3 =	simm.s32 $0x400;
	s9 =	simm.s32 $0x2;
	s1 =	sadd.s32 s7, s0  }
0x1e: {  	[tilespmem:s8], [sflag:$0x2] =	stream.strided.gather [hbm4b:s1+s2], $0x2780, s3, s2, $0x38;
	[tilespmem:$0x16780] =	vst v63  }
0x1f: {  	_ =	swait.ge [sflag:s9], $0x2780  }
0x20: {  	[sflag:s9] =	ssyncset.done $0x0  }
0x21: {  	[sflag:s9] =	ssyncadd.s32 $0xFFFFD880  }
0x22: {  	[tilespmem:$0x16380] =	vst v0  }
0x23: {  	[tilespmem:$0x16390] =	vst v0  }
0x24: {  	[tilespmem:$0x163A0] =	vst v0  }
0x25: {  	[tilespmem:$0x163B0] =	vst v0  }
0x26: {  	[tilespmem:$0x163C0] =	vst v0  }
0x27: {  	[tilespmem:$0x163D0] =	vst v0  }
0x28: {  	[tilespmem:$0x163E0] =	vst v0  }
0x29: {  	[tilespmem:$0x16400] =	vst v0  }
0x2a: {  	[tilespmem:$0x16410] =	vst v0  }
0x2b: {  	[tilespmem:$0x16420] =	vst v0  }
0x2c: {  	[tilespmem:$0x16430] =	vst v0  }
0x2d: {  	[tilespmem:$0x16440] =	vst v0  }
0x2e: {  	[tilespmem:$0x16450] =	vst v0  }
0x2f: {  	[tilespmem:$0x16460] =	vst v0  }
0x30: {  	[tilespmem:$0x16480] =	vst v0  }
0x31: {  	[tilespmem:$0x16490] =	vst v0  }
0x32: {  	[tilespmem:$0x164A0] =	vst v0  }
0x33: {  	[tilespmem:$0x164B0] =	vst v0  }
0x34: {  	[tilespmem:$0x164C0] =	vst v0  }
0x35: {  	[tilespmem:$0x164D0] =	vst v0  }
0x36: {  	[tilespmem:$0x164E0] =	vst v0  }
0x37: {  	[tilespmem:$0x16500] =	vst v0  }
0x38: {  	[tilespmem:$0x16510] =	vst v0  }
0x39: {  	[tilespmem:$0x16520] =	vst v0  }
0x3a: {  	[tilespmem:$0x16530] =	vst v0  }
0x3b: {  	[tilespmem:$0x16540] =	vst v0  }
0x3c: {  	[tilespmem:$0x16550] =	vst v0  }
0x3d: {  	[tilespmem:$0x16560] =	vst v0  }
0x3e: {  	[tilespmem:$0x16580] =	vst v0  }
0x3f: {  	[tilespmem:$0x16590] =	vst v0  }
0x40: {  	[tilespmem:$0x165A0] =	vst v0  }
0x41: {  	[tilespmem:$0x165B0] =	vst v0  }
0x42: {  	[tilespmem:$0x165C0] =	vst v0  }
0x43: {  	[tilespmem:$0x165D0] =	vst v0  }
0x44: {  	[tilespmem:$0x165E0] =	vst v0  }
0x45: {  	[tilespmem:$0x16600] =	vst v0  }
0x46: {  	[tilespmem:$0x16610] =	vst v0  }
0x47: {  	[tilespmem:$0x16620] =	vst v0  }
0x48: {  	[tilespmem:$0x16630] =	vst v0  }
0x49: {  	[tilespmem:$0x16640] =	vst v0  }
0x4a: {  	[tilespmem:$0x16650] =	vst v0  }
0x4b: {  	[tilespmem:$0x16660] =	vst v0  }
0x4c: {  	[tilespmem:$0x16680] =	vst v0  }
0x4d: {  	[tilespmem:$0x16690] =	vst v0  }
0x4e: {  	[tilespmem:$0x166A0] =	vst v0  }
0x4f: {  	[tilespmem:$0x166B0] =	vst v0  }
0x50: {  	[tilespmem:$0x166C0] =	vst v0  }
0x51: {  	[tilespmem:$0x166D0] =	vst v0  }
0x52: {  	[tilespmem:$0x166E0] =	vst v0  }
0x53: {  	[tilespmem:$0x16700] =	vst v0  }
0x54: {  	[tilespmem:$0x16710] =	vst v0  }
0x55: {  	[tilespmem:$0x16720] =	vst v0  }
0x56: {  	s30 =	simm.s32 $0x0;
	[tilespmem:$0x16730] =	vst v0  }
0x57: {  	s10 =	sand.u32 $0x40, s30;
	s11 =	sand.u32 $0x3F80, s30;
	[tilespmem:$0x16740] =	vst v0  }
0x58: {  	s4 =	sor.u32 $0x30, s10;
	s2 =	sadd.s32 $0x13C00, s11;
	[tilespmem:$0x16750] =	vst v0  }
0x59: {  	s5 =	sor.u32 $0x10, s10;
	s6 =	sor.u32 s4, s2;
	[tilespmem:$0x16760] =	vst v0  }
0x5a: {  	s7 =	sor.u32 $0x20, s10;
	s12 =	sor.u32 s5, s2;
	v4 =	vld [tilespmem:s6+$0x0]  }
0x5b: {  	s13 =	sand.u32 $0x1FC00, s30;
	s2 =	sor.u32 s7, s2;
	v3 =	vld [tilespmem:s12+$0x0]  }
0x5c: {  	s14 =	sor.u32 s4, s13;
	v1 =	vld [tilespmem:s2+$0x0]  }
0x5d: {  	v5 =	vld [tilespmem:s14+$0x0]  }
0x5e: {  	s15 =	sor.u32 s5, s13;
	v2 =	vld [tilespmem:s8+$0x0]  }
0x5f: {  	s16 =	sor.u32 s7, s13;
	v6 =	vld [tilespmem:s15+$0x0]  }
0x60: {  	v7 =	vld [tilespmem:s16+$0x0]  }
0x61: {  	s1 =	sor.u32 s10, s13  }
0x62: {  	v8 =	vld [tilespmem:s1+$0x0]  }
0x63: {  	[tilespmem:v4+s19+$0x0] =	vst.idx.add.f32.msk $0xffff, v5  }
0x64: {  	[tilespmem:v3+s19+$0x0] =	vst.idx.add.f32.msk $0xffff, v6  }
0x65: {  	[tilespmem:v1+s19+$0x0] =	vst.idx.add.f32.msk $0xffff, v7  }
0x66: {  	v5 =	vld [tilespmem:s14+$0x80]  }
0x67: {  	v6 =	vld [tilespmem:s15+$0x80]  }
0x68: {  	[tilespmem:v2+s19+$0x0] =	vst.idx.add.f32.msk $0xffff, v8  }
0x69: {  	v7 =	vld [tilespmem:s16+$0x80]  }
0x6a: {  	v8 =	vld [tilespmem:s1+$0x80]  }
0x6b: {  	[tilespmem:v4+s20+$0x0] =	vst.idx.add.f32.msk $0xffff, v5  }
0x6c: {  	[tilespmem:v3+s20+$0x0] =	vst.idx.add.f32.msk $0xffff, v6  }
0x6d: {  	v5 =	vld [tilespmem:s14+$0x100]  }
0x6e: {  	[tilespmem:v1+s20+$0x0] =	vst.idx.add.f32.msk $0xffff, v7  }
0x6f: {  	[tilespmem:v2+s20+$0x0] =	vst.idx.add.f32.msk $0xffff, v8  }
0x70: {  	v6 =	vld [tilespmem:s15+$0x100]  }
0x71: {  	v7 =	vld [tilespmem:s16+$0x100]  }
0x72: {  	[tilespmem:v4+s21+$0x0] =	vst.idx.add.f32.msk $0xffff, v5  }
0x73: {  	p0 =	por $0x0, $0x0;
	s2 =	simm.s32 $0x1;
	v5 =	vld [tilespmem:s14+$0x180]  }
0x74: {  	s2 =	simm.s32 @!p0 $0x0;
	v8 =	vld [tilespmem:s1+$0x100]  }
0x75: {  	s2 =	sshll.u32 s2, $0x6;
	[tilespmem:v3+s21+$0x0] =	vst.idx.add.f32.msk $0xffff, v6  }
0x76: {  	s2 =	sadd.s32 $0x0, s2;
	[tilespmem:v1+s21+$0x0] =	vst.idx.add.f32.msk $0xffff, v7  }
0x77: {  	s17 =	sadd.s32 $0x30, s2;
	v6 =	vld [tilespmem:s15+$0x180]  }
0x78: {  	s28 =	sor.u32 $0x200, s17;
	[tilespmem:v4+s22+$0x0] =	vst.idx.add.f32.msk $0xffff, v5  }
0x79: {  	v5 =	vld [tilespmem:s28+$0x0]  }
0x7a: {  	[tilespmem:v2+s21+$0x0] =	vst.idx.add.f32.msk $0xffff, v8  }
0x7b: {  	v7 =	vld [tilespmem:s16+$0x180]  }
0x7c: {  	v8 =	vld [tilespmem:s1+$0x180]  }
0x7d: {  	[tilespmem:v3+s22+$0x0] =	vst.idx.add.f32.msk $0xffff, v6  }
0x7e: {  	s3 =	sor.u32 $0x280, s17;
	[tilespmem:v4+s23+$0x0] =	vst.idx.add.f32.msk $0xffff, v5  }
0x7f: {  	v5 =	vld [tilespmem:s3+$0x0]  }
0x80: {  	s6 =	sadd.s32 $0x10, s2;
	[tilespmem:v1+s22+$0x0] =	vst.idx.add.f32.msk $0xffff, v7  }
0x81: {  	s9 =	sadd.s32 $0x20, s2;
	s7 =	sor.u32 $0x200, s6;
	[tilespmem:v2+s22+$0x0] =	vst.idx.add.f32.msk $0xffff, v8  }
0x82: {  	s10 =	sor.u32 $0x200, s9;
	v6 =	vld [tilespmem:s7+$0x0]  }
0x83: {  	v7 =	vld [tilespmem:s10+$0x0]  }
0x84: {  	s8 =	sor.u32 $0x300, s17;
	[tilespmem:v4+s24+$0x0] =	vst.idx.add.f32.msk $0xffff, v5  }
0x85: {  	s11 =	sor.u32 $0x200, s2;
	v5 =	vld [tilespmem:s8+$0x0]  }
0x86: {  	v8 =	vld [tilespmem:s11+$0x0]  }
0x87: {  	[tilespmem:v3+s23+$0x0] =	vst.idx.add.f32.msk $0xffff, v6  }
0x88: {  	s13 =	sor.u32 $0x280, s6;
	[tilespmem:v1+s23+$0x0] =	vst.idx.add.f32.msk $0xffff, v7  }
0x89: {  	v6 =	vld [tilespmem:s13+$0x0]  }
0x8a: {  	s12 =	sor.u32 $0x380, s17;
	[tilespmem:v4+s25+$0x0] =	vst.idx.add.f32.msk $0xffff, v5  }
0x8b: {  	v5 =	vld [tilespmem:s12+$0x0]  }
0x8c: {  	s14 =	sor.u32 $0x280, s9;
	[tilespmem:v2+s23+$0x0] =	vst.idx.add.f32.msk $0xffff, v8  }
0x8d: {  	s15 =	sor.u32 $0x280, s2;
	v7 =	vld [tilespmem:s14+$0x0]  }
0x8e: {  	v8 =	vld [tilespmem:s15+$0x0]  }
0x8f: {  	[tilespmem:v3+s24+$0x0] =	vst.idx.add.f32.msk $0xffff, v6  }
0x90: {  	s16 =	sor.u32 $0x300, s6;
	[tilespmem:v4+s26+$0x0] =	vst.idx.add.f32.msk $0xffff, v5  }
0x91: {  	v4 =	vld [tilespmem:s16+$0x0]  }
0x92: {  	[tilespmem:v1+s24+$0x0] =	vst.idx.add.f32.msk $0xffff, v7  }
0x93: {  	s17 =	sor.u32 $0x300, s9;
	[tilespmem:v2+s24+$0x0] =	vst.idx.add.f32.msk $0xffff, v8  }
0x94: {  	s28 =	sor.u32 $0x300, s2;
	v5 =	vld [tilespmem:s17+$0x0]  }
0x95: {  	v7 =	vld [tilespmem:s28+$0x0]  }
0x96: {  	s31 =	simm.s32 $0x0;
	s5 =	sor.u32 $0x380, s2;
	s0 =	sor.u32 $0x380, s6;
	[tilespmem:v3+s25+$0x0] =	vst.idx.add.f32.msk $0xffff, v4  }
0x97: {  	s1 =	simm.s32 $0x13C40;
	s14 =	sor.u32 $0x380, s9;
	v6 =	vld [tilespmem:s0+$0x0];
	s0 =	simm.s32 $0x0  }
.LBB2_3:
0x98: {  	v4 =	vld [tilespmem:s1+$0x0]  }
0x99: {  	[tilespmem:v1+s25+$0x0] =	vst.idx.add.f32.msk $0xffff, v5  }
0x9a: {  	s30 =	sadd.s32 $0x40, s30;
	[tilespmem:v2+s25+$0x0] =	vst.idx.add.f32.msk $0xffff, v7  }
0x9b: {  	s31 =	sadd.s32 $0x4, s31;
	s2 =	sand.u32 $0x40, s30;
	s4 =	sand.u32 $0x3F80, s30;
	v7 =	vld [tilespmem:s14+$0x0]  }
0x9c: {  	p1 =	slt.u32 s31, $0x26C;
	s4 =	sadd.s32 $0x13C00, s4;
	s6 =	sor.u32 $0x30, s2;
	v5 =	vld [tilespmem:s5+$0x0]  }
0x9d: {  	s7 =	sor.u32 $0x20, s2;
	s14 =	sor.u32 s6, s4;
	s5 =	sor.u32 $0x10, s2;
	[tilespmem:v3+s26+$0x0] =	vst.idx.add.f32.msk $0xffff, v6  }
0x9e: {  	s0 =	sadd.s32 $0x200, s0;
	s16 =	sor.u32 s5, s4;
	s4 =	sor.u32 s7, s4;
	v6 =	vld [tilespmem:s14+$0x0]  }
0x9f: {  	s14 =	sand.u32 $0x1FC00, s0;
	v3 =	vld [tilespmem:s16+$0x0]  }
0xa0: {  	s16 =	sor.u32 s5, s14;
	s28 =	sor.u32 s7, s14;
	v8 =	vld [tilespmem:s4+$0x0];
	s4 =	sor.u32 s6, s14  }
0xa1: {  	s2 =	sor.u32 s2, s14;
	v9 =	vld [tilespmem:s4+$0x0]  }
0xa2: {  	v10 =	vld [tilespmem:s16+$0x0]  }
0xa3: {  	v11 =	vld [tilespmem:s28+$0x0]  }
0xa4: {  	v12 =	vld [tilespmem:s2+$0x0]  }
0xa5: {  	[tilespmem:v1+s26+$0x0] =	vst.idx.add.f32.msk $0xffff, v7;
	v1 =	vmov v8  }
0xa6: {  	[tilespmem:v6+s19+$0x0] =	vst.idx.add.f32.msk $0xffff, v9  }
0xa7: {  	v7 =	vld [tilespmem:s4+$0x80]  }
0xa8: {  	[tilespmem:v3+s19+$0x0] =	vst.idx.add.f32.msk $0xffff, v10  }
0xa9: {  	[tilespmem:v8+s19+$0x0] =	vst.idx.add.f32.msk $0xffff, v11  }
0xaa: {  	[tilespmem:v4+s19+$0x0] =	vst.idx.add.f32.msk $0xffff, v12  }
0xab: {  	v8 =	vld [tilespmem:s16+$0x80]  }
0xac: {  	[tilespmem:v6+s20+$0x0] =	vst.idx.add.f32.msk $0xffff, v7  }
0xad: {  	v7 =	vld [tilespmem:s4+$0x100]  }
0xae: {  	v9 =	vld [tilespmem:s28+$0x80]  }
0xaf: {  	v10 =	vld [tilespmem:s2+$0x80]  }
0xb0: {  	[tilespmem:v3+s20+$0x0] =	vst.idx.add.f32.msk $0xffff, v8  }
0xb1: {  	v8 =	vld [tilespmem:s16+$0x100]  }
0xb2: {  	[tilespmem:v6+s21+$0x0] =	vst.idx.add.f32.msk $0xffff, v7  }
0xb3: {  	p0 =	por !p0, !p0;
	v7 =	vld [tilespmem:s4+$0x180];
	s4 =	simm.s32 $0x1  }
0xb4: {  	s4 =	simm.s32 @!p0 $0x0;
	[tilespmem:v1+s20+$0x0] =	vst.idx.add.f32.msk $0xffff, v9  }
0xb5: {  	s4 =	sshll.u32 s4, $0x6;
	[tilespmem:v4+s20+$0x0] =	vst.idx.add.f32.msk $0xffff, v10  }
0xb6: {  	s5 =	sadd.s32 s4, s0;
	v9 =	vld [tilespmem:s28+$0x100]  }
0xb7: {  	v10 =	vld [tilespmem:s2+$0x100];
	s14 =	sadd.s32 $0x10, s5;
	s8 =	sadd.s32 $0x20, s5;
	s9 =	sadd.s32 $0x30, s5  }
0xb8: {  	s10 =	sor.u32 $0x200, s14;
	s11 =	sor.u32 $0x200, s8;
	[tilespmem:v6+s22+$0x0] =	vst.idx.add.f32.msk $0xffff, v7;
	s4 =	sor.u32 $0x200, s9  }
0xb9: {  	s12 =	sor.u32 $0x200, s5;
	s13 =	sor.u32 $0x280, s14;
	s15 =	sor.u32 $0x280, s8;
	v7 =	vld [tilespmem:s4+$0x0]  }
0xba: {  	s3 =	sor.u32 $0x280, s5;
	s7 =	sor.u32 $0x300, s14;
	s6 =	sor.u32 $0x300, s8;
	[tilespmem:v3+s21+$0x0] =	vst.idx.add.f32.msk $0xffff, v8  }
0xbb: {  	s17 =	sor.u32 $0x380, s14;
	s14 =	sor.u32 $0x380, s8;
	s4 =	sor.u32 $0x300, s5;
	[tilespmem:v1+s21+$0x0] =	vst.idx.add.f32.msk $0xffff, v9  }
0xbc: {  	s5 =	sor.u32 $0x380, s5;
	[tilespmem:v4+s21+$0x0] =	vst.idx.add.f32.msk $0xffff, v10  }
0xbd: {  	v8 =	vld [tilespmem:s16+$0x180]  }
0xbe: {  	s8 =	sor.u32 $0x280, s9;
	[tilespmem:v6+s23+$0x0] =	vst.idx.add.f32.msk $0xffff, v7  }
0xbf: {  	v7 =	vld [tilespmem:s8+$0x0]  }
0xc0: {  	v9 =	vld [tilespmem:s28+$0x180]  }
0xc1: {  	v10 =	vld [tilespmem:s2+$0x180]  }
0xc2: {  	[tilespmem:v3+s22+$0x0] =	vst.idx.add.f32.msk $0xffff, v8  }
0xc3: {  	v8 =	vld [tilespmem:s10+$0x0]  }
0xc4: {  	s2 =	sor.u32 $0x300, s9;
	[tilespmem:v6+s24+$0x0] =	vst.idx.add.f32.msk $0xffff, v7  }
0xc5: {  	v7 =	vld [tilespmem:s2+$0x0]  }
0xc6: {  	[tilespmem:v1+s22+$0x0] =	vst.idx.add.f32.msk $0xffff, v9  }
0xc7: {  	[tilespmem:v4+s22+$0x0] =	vst.idx.add.f32.msk $0xffff, v10  }
0xc8: {  	v9 =	vld [tilespmem:s11+$0x0]  }
0xc9: {  	v10 =	vld [tilespmem:s12+$0x0]  }
0xca: {  	s2 =	sor.u32 $0x380, s9;
	[tilespmem:v6+s25+$0x0] =	vst.idx.add.f32.msk $0xffff, v7  }
0xcb: {  	v7 =	vld [tilespmem:s2+$0x0]  }
0xcc: {  	[tilespmem:v3+s23+$0x0] =	vst.idx.add.f32.msk $0xffff, v8  }
0xcd: {  	[tilespmem:v1+s23+$0x0] =	vst.idx.add.f32.msk $0xffff, v9  }
0xce: {  	[tilespmem:v4+s23+$0x0] =	vst.idx.add.f32.msk $0xffff, v10  }
0xcf: {  	v8 =	vld [tilespmem:s13+$0x0]  }
0xd0: {  	[tilespmem:v6+s26+$0x0] =	vst.idx.add.f32.msk $0xffff, v7  }
0xd1: {  	v6 =	vld [tilespmem:s15+$0x0]  }
0xd2: {  	v7 =	vld [tilespmem:s3+$0x0]  }
0xd3: {  	[tilespmem:v2+s26+$0x0] =	vst.idx.add.f32.msk $0xffff, v5;
	v2 =	vmov v4  }
0xd4: {  	[tilespmem:v3+s24+$0x0] =	vst.idx.add.f32.msk $0xffff, v8  }
0xd5: {  	v8 =	vld [tilespmem:s7+$0x0]  }
0xd6: {  	[tilespmem:v1+s24+$0x0] =	vst.idx.add.f32.msk $0xffff, v6  }
.Ltmp0:
0xd7: {  	[tilespmem:v4+s24+$0x0] =	vst.idx.add.f32.msk $0xffff, v7;
	(pc) =	sbr.rel @p1 .LBB2_3-.Ltmp0, $4  }
0xd8: {  	v5 =	vld [tilespmem:s6+$0x0]  }
0xd9: {  	v7 =	vld [tilespmem:s4+$0x0]  }
0xda: {  	[tilespmem:v3+s25+$0x0] =	vst.idx.add.f32.msk $0xffff, v8  }
0xdb: {  	s1 =	sadd.s32 $0x40, s1;
	v6 =	vld [tilespmem:s17+$0x0]  }
0xdc: {  	_ =	sdelay $0x3  }
0xdd: {  	[tilespmem:v1+s25+$0x0] =	vst.idx.add.f32.msk $0xffff, v5  }
0xde: {  	[tilespmem:v2+s25+$0x0] =	vst.idx.add.f32.msk $0xffff, v7  }
0xdf: {  	v4 =	vld [tilespmem:s14+$0x0]  }
0xe0: {  	v63 =	vld [tilespmem:s5+$0x0];
	_ =	sdelay $0x2  }
0xe1: {  	[tilespmem:v3+s26+$0x0] =	vst.idx.add.f32.msk $0xffff, v6  }
0xe2: {  	[tilespmem:v1+s26+$0x0] =	vst.idx.add.f32.msk $0xffff, v4  }
0xe3: {  	[tilespmem:v2+s26+$0x0] =	vst.idx.add.f32.msk $0xffff, v63  }
0xe4: {  	v1 =	vld [tilespmem:$0x16300];
	_ =	sdelay $0x2  }
0xe5: {  	v2 =	vld [tilespmem:$0x13800];
	_ =	sdelay $0x4  }
0xe6: {  	[tilespmem:v1+s19+$0x0] =	vst.idx.add.f32.msk $0xffff, v2  }
0xe7: {  	v2 =	vld [tilespmem:$0x13880];
	_ =	sdelay $0x4  }
0xe8: {  	[tilespmem:v1+s20+$0x0] =	vst.idx.add.f32.msk $0xffff, v2  }
0xe9: {  	v2 =	vld [tilespmem:$0x13900];
	_ =	sdelay $0x4  }
0xea: {  	[tilespmem:v1+s21+$0x0] =	vst.idx.add.f32.msk $0xffff, v2  }
0xeb: {  	v2 =	vld [tilespmem:$0x13980];
	_ =	sdelay $0x4  }
0xec: {  	[tilespmem:v1+s22+$0x0] =	vst.idx.add.f32.msk $0xffff, v2  }
0xed: {  	v2 =	vld [tilespmem:$0x13A00];
	_ =	sdelay $0x4  }
0xee: {  	[tilespmem:v1+s23+$0x0] =	vst.idx.add.f32.msk $0xffff, v2  }
0xef: {  	v2 =	vld [tilespmem:$0x13A80];
	_ =	sdelay $0x4  }
0xf0: {  	[tilespmem:v1+s24+$0x0] =	vst.idx.add.f32.msk $0xffff, v2  }
0xf1: {  	v2 =	vld [tilespmem:$0x13B00];
	_ =	sdelay $0x4  }
0xf2: {  	[tilespmem:v1+s25+$0x0] =	vst.idx.add.f32.msk $0xffff, v2  }
0xf3: {  	v2 =	vld [tilespmem:$0x13B80];
	_ =	sdelay $0x2  }
0xf4: {  	s0 =	sshll.u32 s29, $0xC;
	s1 =	rddreg [dreg:$0x5]  }
0xf5: {  	s13 =	rddreg [dreg:$0x1];
	s0 =	sor.u32 s1, s0  }
0xf6: {  	s2 =	simm.s32 $0x0;
	s14 =	rddreg [dreg:$0x6];
	s1 =	sadd.s32 s13, s0;
	[tilespmem:v1+s26+$0x0] =	vst.idx.add.f32.msk $0xffff, v2  }
0xf7: {  	[hbm4b:s1+s2] =	stream.linear.scatter [tilespmem:s19], [sflag:$0x1], $0x80, $0x38;
	[tilespmem:$0x16780] =	vst v63  }
0xf8: {  	s15 =	rddreg [dreg:$0x7];
	s1 =	sadd.s32 s0, s14  }
0xf9: {  	[hbm4b:s1+s2] =	stream.linear.scatter [tilespmem:s20], [sflag:$0x1], $0x80, $0x38;
	[tilespmem:$0x16780] =	vst v63  }
0xfa: {  	s16 =	rddreg [dreg:$0x8];
	s1 =	sadd.s32 s0, s15  }
0xfb: {  	[hbm4b:s1+s2] =	stream.linear.scatter [tilespmem:s21], [sflag:$0x1], $0x80, $0x38;
	[tilespmem:$0x16780] =	vst v63  }
0xfc: {  	s17 =	rddreg [dreg:$0x9];
	s1 =	sadd.s32 s0, s16  }
0xfd: {  	[hbm4b:s1+s2] =	stream.linear.scatter [tilespmem:s22], [sflag:$0x1], $0x80, $0x38;
	[tilespmem:$0x16780] =	vst v63  }
0xfe: {  	s28 =	rddreg [dreg:$0xa];
	s1 =	sadd.s32 s0, s17  }
0xff: {  	[hbm4b:s1+s2] =	stream.linear.scatter [tilespmem:s23], [sflag:$0x1], $0x80, $0x38;
	[tilespmem:$0x16780] =	vst v63  }
0x100: {  	s30 =	rddreg [dreg:$0xb];
	s1 =	sadd.s32 s0, s28  }
0x101: {  	[hbm4b:s1+s2] =	stream.linear.scatter [tilespmem:s24], [sflag:$0x1], $0x80, $0x38;
	[tilespmem:$0x16780] =	vst v63  }
0x102: {  	s31 =	rddreg [dreg:$0xc];
	s1 =	sadd.s32 s0, s30  }
0x103: {  	[hbm4b:s1+s2] =	stream.linear.scatter [tilespmem:s25], [sflag:$0x1], $0x80, $0x38;
	[tilespmem:$0x16780] =	vst v63  }
0x104: {  	s0 =	sadd.s32 s0, s31  }
0x105: {  	[hbm4b:s0+s2] =	stream.linear.scatter [tilespmem:s26], [sflag:$0x1], $0x80, $0x38;
	[tilespmem:$0x16780] =	vst v63  }
0x106: {  	_ =	swait.ge [sflag:s18], $0x80  }
0x107: {  	[sflag:s18] =	ssyncset.done $0x0  }
0x108: {  	[sflag:s18] =	ssyncadd.s32 $0xFFFFFF80  }
0x109: {  	_ =	swait.ge [sflag:s18], $0x80  }
0x10a: {  	[sflag:s18] =	ssyncset.done $0x0  }
0x10b: {  	[sflag:s18] =	ssyncadd.s32 $0xFFFFFF80  }
0x10c: {  	_ =	swait.ge [sflag:s18], $0x80  }
0x10d: {  	[sflag:s18] =	ssyncset.done $0x0  }
0x10e: {  	[sflag:s18] =	ssyncadd.s32 $0xFFFFFF80  }
0x10f: {  	_ =	swait.ge [sflag:s18], $0x80  }
0x110: {  	[sflag:s18] =	ssyncset.done $0x0  }
0x111: {  	[sflag:s18] =	ssyncadd.s32 $0xFFFFFF80  }
0x112: {  	_ =	swait.ge [sflag:s18], $0x80  }
0x113: {  	[sflag:s18] =	ssyncset.done $0x0  }
0x114: {  	[sflag:s18] =	ssyncadd.s32 $0xFFFFFF80  }
0x115: {  	_ =	swait.ge [sflag:s18], $0x80  }
0x116: {  	[sflag:s18] =	ssyncset.done $0x0  }
0x117: {  	s29 =	sadd.s32 $0x1, s29;
	[sflag:s18] =	ssyncadd.s32 $0xFFFFFF80  }
0x118: {  	p0 =	sne.s32 s29, $0x10;
	_ =	swait.ge [sflag:s18], $0x80  }
.Ltmp1:
0x119: {  	[sflag:s18] =	ssyncset.done $0x0;
	(pc) =	sbr.rel @p0 .LBB2_2-.Ltmp1, $4  }
0x11a: {  	[sflag:s18] =	ssyncadd.s32 $0xFFFFFF80  }
0x11b: {  	_ =	swait.ge [sflag:s18], $0x80  }
0x11c: {  	[sflag:s18] =	ssyncset.done $0x0  }
0x11d: {  	s3 =	simm.s32 $0x0;
	[sflag:s18] =	ssyncadd.s32 $0xFFFFFF80  }
0x11e: {  	s1 =	rddreg [dreg:$0xe]  }
0x11f: {  	s0 =	rddreg [dreg:$0xd];
	s1 =	sadd.s32 $0x1, s1  }
0x120: {  	p0 =	sne.s32 s1, s0  }
.Ltmp2:
0x121: {  	_ = 	snop;
	(pc) =	sbr.rel @p0 .LBB2_1-.Ltmp2, $1  }
0x122: {  	_ =	sdelay $0x3  }
0x123: {  	_ =	sfence.sel $0x180000  }
0x124: {  	[bflag:$0x0] =	sbarrier.arrive $0xFFFF  }
0x125: {  	_ =	strace $0x90000047  }
0x126: {  	s0 =	stileid.u32;
	[bflag:$0x2] =	sbarrier.arrive $0xFFFF  }
0x127: {  	p0 =	sne.s32 s0, $0x0;
	s0 =	rddreg [dreg:$0x2]  }
0x128: {  	s0 =	sadd.s32 @!p0 $0x100000, s0  }
0x129: {  	[sflag:s0] =	ssyncadd.tile.s32 @!p0 $0x1;
	_ =	shalt  }
.Lfunc_end2:
_tile_overlayer_lowered:
.L_overlay_start_2:
0x12a: {  	(tag) =	ssettag $0x2  }
0x12b: {  	s0 =	rddreg [dreg:$0x0];
	s2 =	stileid.u32  }
0x12c: {  	s1 =	rddreg [dreg:$0x1];
	p0 =	sne.s32 s2, $0x0  }
0x12d: {  	s3 =	rddreg [dreg:$0x2];
	[bflag:$0x3] =	sbarrier.arrive $0xFFFF;
	s2 =	simm.s32 @!p0 $0x1C02  }
0x12e: {  	[timem:s3], [sflag:s2] =	dma.local @!p0 [hbm:s0], s1  }
0x12f: {  	s0 =	simm.s32 @!p0 $0x2  }
0x130: {  	_ =	swait.ge @!p0 [sflag:s0], s1  }
0x131: {  	s1 =	ssub.s32 @!p0 $0x0, s1;
	[sflag:s0] =	ssyncset.done @!p0 $0x0  }
0x132: {  	[sflag:s0] =	ssyncadd.s32 @!p0 s1  }
0x133: {  	[bflag:$0x3] =	sbarrier.arrive $0xFFFF  }
0x134: {  	_ =	shalt  }

</sc_bundles>
